<compile_context>
chip_gen: v7x
topology: tpu7x:2x2x1
jax: 0.10.2.dev20260603
libtpu: 0.0.44.dev20260713+nightly
codegen_flags: <defaults>
</compile_context>

<pallas_src>
import functools

import jax
import jax.numpy as jnp
from jax import lax
from jax.experimental import pallas as pl
from jax.experimental.pallas import tpu as pltpu
from jax.experimental.pallas import tpu_sc as plsc

N_PTS = 10000
N_PAD = 10240
M_SMP = 2500
M_PAD = 2560
K_NBR = 64
RADIUS = 0.2
R2 = RADIUS * RADIUS
_BIG_I32 = 2 ** 30
_NEG = float(jnp.finfo(jnp.float32).min)

NW = 32
ROWS_PER_W = M_PAD // NW
N_CHUNK = N_PAD // 16



def _fps_body(posx_ref, posy_ref, posz_ref, posxc_ref, posyc_ref, poszc_ref,
              poss_ref, idx_ref, dist_ref):
    ii = (lax.broadcasted_iota(jnp.int32, (80, 128), 0) * 128
          + lax.broadcasted_iota(jnp.int32, (80, 128), 1))
    iif = ii.astype(jnp.float32)
    dist_ref[...] = jnp.where(ii < N_PTS, jnp.inf, -jnp.inf).astype(jnp.float32)
    poss_ref[...] = jnp.full((M_PAD, 4), -1e9, jnp.float32)
    idx_ref[...] = jnp.zeros((M_PAD, 1), jnp.int32)

    l4 = lax.broadcasted_iota(jnp.int32, (1, 4), 1)

    def write_row(i, k, px, py, pz):
        v4 = jnp.where(l4 == 0, px,
                       jnp.where(l4 == 1, py,
                                 jnp.where(l4 == 2, pz, 0.0)))
        poss_ref[pl.ds(i, 1), :] = v4.astype(jnp.float32)
        idx_ref[pl.ds(i, 1), :] = jnp.full((1, 1), k, jnp.int32)

    def extract(k):
        return (posxc_ref[k, 0], posyc_ref[k, 0], poszc_ref[k, 0])

    px0, py0, pz0 = extract(jnp.int32(0))
    write_row(0, jnp.int32(0), px0, py0, pz0)

    def body(i, carry):
        px, py, pz = carry
        dx = posx_ref[...] - px
        dy = posy_ref[...] - py
        dz = posz_ref[...] - pz
        d = (dx * dx + dy * dy) + dz * dz
        nd = jnp.minimum(dist_ref[...], d)
        dist_ref[...] = nd
        m = jnp.max(nd)
        key = jnp.where(nd == m, iif, 3.0e38)
        k = jnp.min(key).astype(jnp.int32)
        npx, npy, npz = extract(k)
        write_row(i, k, npx, npy, npz)
        return (npx, npy, npz)

    lax.fori_loop(1, M_SMP, body, (px0, py0, pz0))


def _fps_call(posx, posy, posz, interpret=False):
    return pl.pallas_call(
        _fps_body,
        out_shape=[
            jax.ShapeDtypeStruct((M_PAD, 4), jnp.float32),
            jax.ShapeDtypeStruct((M_PAD, 1), jnp.int32),
        ],
        scratch_shapes=[pltpu.VMEM((80, 128), jnp.float32)],
        interpret=interpret,
    )(posx, posy, posz,
      posx.reshape(N_PAD, 1), posy.reshape(N_PAD, 1), posz.reshape(N_PAD, 1))



def _pb_body(x_ref, pos4_ref, w1x_ref, w1p_ref, b1_ref, poss_ref,
             p_ref, b_ref):
    p = jnp.dot(x_ref[...], w1x_ref[...], preferred_element_type=jnp.float32)
    p = p + jnp.dot(pos4_ref[...], w1p_ref[...],
                    preferred_element_type=jnp.float32)
    p_ref[...] = p + b1_ref[...]
    b_ref[...] = jnp.dot(poss_ref[...], w1p_ref[...],
                         preferred_element_type=jnp.float32)


def _pb_call(xpad, pos4, w1x, w1p, b1r, poss4):
    return pl.pallas_call(
        _pb_body,
        out_shape=[
            jax.ShapeDtypeStruct((N_PAD, 128), jnp.float32),
            jax.ShapeDtypeStruct((M_PAD, 128), jnp.float32),
        ],
    )(xpad, pos4, w1x, w1p, b1r, poss4)



def _rne_bf16(v):
    u = plsc.bitcast(v, jnp.int32)
    r = (u + 0x7FFF + ((u >> 16) & 1)) & jnp.int32(-65536)
    return plsc.bitcast(r, jnp.float32)


def _sc_body(posx_hbm, posy_hbm, posz_hbm, qx_hbm, qy_hbm, qz_hbm, p_hbm,
             pg_hbm, cnt_hbm,
             posx_v, posy_v, posz_v, qx_v, qy_v, qz_v,
             cols0_v, cols1_v, cnt_v, pg0_v, pg1_v,
             pxb_v, pyb_v, pzb_v, p2_v,
             gsem0, gsem1, wsem0, wsem1):
    wid = lax.axis_index("s") * 2 + lax.axis_index("c")
    base = wid * ROWS_PER_W

    pltpu.sync_copy(posx_hbm, posx_v)
    pltpu.sync_copy(posy_hbm, posy_v)
    pltpu.sync_copy(posz_hbm, posz_v)

    def prep(c, _):
        off = c * 16
        vx = posx_v[pl.ds(off, 16)]
        vy = posy_v[pl.ds(off, 16)]
        vz = posz_v[pl.ds(off, 16)]
        pxb_v[pl.ds(off, 16)] = _rne_bf16(vx)
        pyb_v[pl.ds(off, 16)] = _rne_bf16(vy)
        pzb_v[pl.ds(off, 16)] = _rne_bf16(vz)
        p2_v[pl.ds(off, 16)] = (vx * vx + vy * vy) + vz * vz
        return 0

    lax.fori_loop(0, N_CHUNK, prep, 0)
    pltpu.sync_copy(qx_hbm.at[pl.ds(base, ROWS_PER_W)],
                    qx_v.at[pl.ds(0, ROWS_PER_W)])
    pltpu.sync_copy(qy_hbm.at[pl.ds(base, ROWS_PER_W)],
                    qy_v.at[pl.ds(0, ROWS_PER_W)])
    pltpu.sync_copy(qz_hbm.at[pl.ds(base, ROWS_PER_W)],
                    qz_v.at[pl.ds(0, ROWS_PER_W)])

    zeros16 = jnp.zeros((16,), jnp.int32)
    for j in range(128 // 16):
        cnt_v[pl.ds(j * 16, 16)] = zeros16

    iota16 = lax.broadcasted_iota(jnp.int32, (16,), 0)
    lane0 = iota16 == 0
    cols_v = cols0_v
    pg_v = pg0_v
    sem = gsem0

    def row_body(r, _):
        grow = base + r

        @pl.when(grow < M_SMP)
        def _():
            rsplat = jnp.full((16,), r, jnp.int32)
            qx = plsc.load_gather(qx_v, [rsplat])
            qy = plsc.load_gather(qy_v, [rsplat])
            qz = plsc.load_gather(qz_v, [rsplat])
            qxb = _rne_bf16(qx)
            qyb = _rne_bf16(qy)
            qzb = _rne_bf16(qz)
            q2 = (qx * qx + qy * qy) + qz * qz
            for j in range(5):
                cols_v[pl.ds(j * 16, 16)] = zeros16

            def cond(st):
                chunk, count = st
                return (count < K_NBR) & (chunk < N_CHUNK)

            def scan(st):
                chunk, count = st
                for u in range(4):
                    off = (chunk + u) * 16
                    dot = (pxb_v[pl.ds(off, 16)] * qxb
                           + pyb_v[pl.ds(off, 16)] * qyb) \
                        + pzb_v[pl.ds(off, 16)] * qzb
                    d2 = (q2 + p2_v[pl.ds(off, 16)]) - 2.0 * dot
                    msk = d2 <= R2
                    plsc.store_compressed(cols_v.at[pl.ds(count, 16)],
                                          off + iota16, mask=msk)
                    count = count + jnp.sum(msk.astype(jnp.int32))
                return (chunk + 4, count)

            _, count = lax.while_loop(cond, scan, (jnp.int32(0), jnp.int32(0)))
            count = jnp.minimum(count, K_NBR)
            plsc.store_scatter(cnt_v, [rsplat],
                               jnp.full((16,), count, jnp.int32), mask=lane0)
            pltpu.async_copy(p_hbm.at[cols_v.at[pl.ds(0, K_NBR)]], pg_v,
                             sem).wait()
            pltpu.sync_copy(pg_v, pg_hbm.at[grow])

        return 0

    lax.fori_loop(0, ROWS_PER_W, row_body, 0)
    pltpu.sync_copy(cnt_v.at[pl.ds(0, ROWS_PER_W)],
                    cnt_hbm.at[pl.ds(base, ROWS_PER_W)])


def _sc_call(posx, posy, posz, qx, qy, qz, p):
    mesh = plsc.VectorSubcoreMesh(core_axis_name="c", subcore_axis_name="s",
                                  num_cores=2, num_subcores=16)
    f = pl.kernel(
        _sc_body,
        out_type=[
            jax.ShapeDtypeStruct((M_PAD, K_NBR, 128), jnp.float32),
            jax.ShapeDtypeStruct((M_PAD,), jnp.int32),
        ],
        mesh=mesh,
        compiler_params=pltpu.CompilerParams(needs_layout_passes=False),
        scratch_types=[
            pltpu.VMEM((N_PAD,), jnp.float32),
            pltpu.VMEM((N_PAD,), jnp.float32),
            pltpu.VMEM((N_PAD,), jnp.float32),
            pltpu.VMEM((128,), jnp.float32),
            pltpu.VMEM((128,), jnp.float32),
            pltpu.VMEM((128,), jnp.float32),
            pltpu.VMEM((128,), jnp.int32),
            pltpu.VMEM((128,), jnp.int32),
            pltpu.VMEM((128,), jnp.int32),
            pltpu.VMEM((K_NBR, 128), jnp.float32),
            pltpu.VMEM((K_NBR, 128), jnp.float32),
            pltpu.VMEM((N_PAD,), jnp.float32),
            pltpu.VMEM((N_PAD,), jnp.float32),
            pltpu.VMEM((N_PAD,), jnp.float32),
            pltpu.VMEM((N_PAD,), jnp.float32),
            pltpu.SemaphoreType.DMA,
            pltpu.SemaphoreType.DMA,
            pltpu.SemaphoreType.DMA,
            pltpu.SemaphoreType.DMA,
        ],
    )
    return f(posx, posy, posz, qx, qy, qz, p)



QB = 128
GRID = M_PAD // QB


def _mlp_body(pg_ref, bq_ref, cnt_ref, w2_ref, b2_ref, out_ref):
    pg = pg_ref[...]
    bq = bq_ref[...]
    h1 = jnp.maximum(pg - bq[:, None, :], 0.0)
    h1f = h1.reshape(QB * K_NBR, 128)
    h2 = jnp.dot(h1f, w2_ref[...], preferred_element_type=jnp.float32)
    h2 = jnp.maximum(h2 + b2_ref[...], 0.0)
    h2 = h2.reshape(QB, K_NBR, 128)
    cnt = cnt_ref[...]
    slot = lax.broadcasted_iota(jnp.int32, (QB, K_NBR, 128), 1)
    h2m = jnp.where(slot < cnt[:, :, None], h2, _NEG)
    mx = jnp.max(h2m, axis=1)
    out_ref[...] = jnp.where(cnt > 0, mx, 0.0)


def _mlp_call(pg, bq, cnt2, w2, b2r):
    return pl.pallas_call(
        _mlp_body,
        grid=(GRID,),
        in_specs=[
            pl.BlockSpec((QB, K_NBR, 128), lambda g: (g, 0, 0)),
            pl.BlockSpec((QB, 128), lambda g: (g, 0)),
            pl.BlockSpec((QB, 1), lambda g: (g, 0)),
            pl.BlockSpec((128, 128), lambda g: (0, 0)),
            pl.BlockSpec((1, 128), lambda g: (0, 0)),
        ],
        out_specs=pl.BlockSpec((QB, 128), lambda g: (g, 0)),
        out_shape=jax.ShapeDtypeStruct((M_PAD, 128), jnp.float32),
    )(pg, bq, cnt2, w2, b2r)



def _prep_planes(pos):
    pads = ((0, N_PAD - N_PTS),)
    px = jnp.pad(pos[:, 0], pads, constant_values=1e9).reshape(80, 128)
    py = jnp.pad(pos[:, 1], pads, constant_values=1e9).reshape(80, 128)
    pz = jnp.pad(pos[:, 2], pads, constant_values=1e9).reshape(80, 128)
    return px, py, pz


def kernel(x, pos, batch, W1, b1, W2, b2):
    px, py, pz = _prep_planes(pos)
    poss4, idxc = _fps_call(px, py, pz)
    idx = idxc[:M_SMP, 0]
    pos_s = poss4[:M_SMP, :3]
    batch_s = jnp.take(batch, idx, axis=0)

    xpad = jnp.pad(x, ((0, N_PAD - N_PTS), (0, 0)))
    pos4 = jnp.pad(pos, ((0, N_PAD - N_PTS), (0, 1)))
    w1x = W1[:128]
    w1p = jnp.pad(W1[128:], ((0, 1), (0, 0)))
    b1r = b1.reshape(1, 128)
    p_all, bq = _pb_call(xpad, pos4, w1x, w1p, b1r, poss4)

    pg, cnt = _sc_call(px.reshape(N_PAD), py.reshape(N_PAD),
                       pz.reshape(N_PAD), poss4[:, 0], poss4[:, 1],
                       poss4[:, 2], p_all)

    out_pad = _mlp_call(pg, bq, cnt.reshape(M_PAD, 1), W2,
                        b2.reshape(1, 128))
    return out_pad[:M_SMP], pos_s, batch_s

# --- scband reference (transcript-rebuilt; emitter-appended) ---
"""Pipeline reference for scband-samodule-65111704207594 (READ-ONLY COPY).

The authoritative reference and input builder live on the scoring server;
editing this copy changes nothing except your own understanding.
"""

import jax, jax.numpy as jnp
import numpy as np

RATIO = 0.25
R = 0.2
MAX_NEIGHBORS = 64
N_POINTS = 10000
D_FEAT = 128
D_HID = 128


def fps(pos, n_samples):
    # Farthest point sampling, single batch, deterministic start at index 0.
    N = pos.shape[0]

    def body(i, state):
        dist, idx = state
        last = idx[i - 1]
        d = jnp.sum((pos - pos[last]) ** 2, axis=-1)
        dist = jnp.minimum(dist, d)
        idx = idx.at[i].set(jnp.argmax(dist).astype(jnp.int32))
        return dist, idx

    dist0 = jnp.full((N,), jnp.inf, dtype=pos.dtype)
    idx0 = jnp.zeros((n_samples,), dtype=jnp.int32)
    _, idx = jax.lax.fori_loop(1, n_samples, body, (dist0, idx0))
    return idx


def radius_neighbors(pos_query, pos_all, r, k):
    # For each query point, select up to k neighbors (smallest index first,
    # matching torch_cluster.radius semantics) within radius r.
    N = pos_all.shape[0]
    q2 = jnp.sum(pos_query ** 2, axis=1)[:, None]
    p2 = jnp.sum(pos_all ** 2, axis=1)[None, :]
    d2 = q2 + p2 - 2.0 * (pos_query @ pos_all.T)
    within = d2 <= r * r
    neg_key = jnp.where(within, -jnp.arange(N, dtype=jnp.int32), jnp.int32(-N))
    vals, cols = jax.lax.top_k(neg_key, k)
    valid = vals > -N
    return cols, valid


def setup_inputs(seed: int = 0):
    key = jax.random.key(seed)
    k1, k2, k3, k4 = jax.random.split(key, 4)
    x = jax.random.normal(k1, (N_POINTS, D_FEAT), dtype=jnp.float32)
    pos = jax.random.uniform(k2, (N_POINTS, 3), dtype=jnp.float32)
    batch = jnp.zeros((N_POINTS,), dtype=jnp.int32)
    d_in = D_FEAT + 3
    W1 = jax.random.normal(k3, (d_in, D_HID), dtype=jnp.float32) * (1.0 / np.sqrt(d_in))
    b1 = jnp.zeros((D_HID,), dtype=jnp.float32)
    W2 = jax.random.normal(k4, (D_HID, D_HID), dtype=jnp.float32) * (1.0 / np.sqrt(D_HID))
    b2 = jnp.zeros((D_HID,), dtype=jnp.float32)
    return {"x": x, "pos": pos, "batch": batch, "W1": W1, "b1": b1, "W2": W2, "b2": b2}


def reference(x, pos, batch, W1, b1, W2, b2):
    N = pos.shape[0]
    M = int(np.ceil(RATIO * N))
    # fps indices are non-differentiable (integer) -> stop_gradient on pos copy
    idx = fps(jax.lax.stop_gradient(pos), M)
    pos_s = pos[idx]
    batch_s = batch[idx]
    cols, valid = radius_neighbors(jax.lax.stop_gradient(pos_s), jax.lax.stop_gradient(pos), R, MAX_NEIGHBORS)
    # PointNetConv message: local_nn(concat([x_j, pos_j - pos_i])), max aggregation
    x_j = jnp.take(x, cols, axis=0)                       # [M, K, D_FEAT]
    rel = jnp.take(pos, cols, axis=0) - pos_s[:, None, :]  # [M, K, 3]
    msg = jnp.concatenate([x_j, rel], axis=-1)            # [M, K, D_FEAT+3]
    h = jax.nn.relu(msg @ W1 + b1)
    h = jax.nn.relu(h @ W2 + b2)
    neg = jnp.finfo(h.dtype).min
    h = jnp.where(valid[:, :, None], h, neg)
    out = jnp.max(h, axis=1)
    out = jnp.where(jnp.any(valid, axis=1)[:, None], out, 0.0)
    return out, pos_s, batch_s

if __name__ == "__main__":
    import jax
    _d = setup_inputs()
    print(jax.jit(kernel)(*tuple(_d.values())))

</pallas_src>

<mosaic_0001>
#map = affine_map<(d0, d1) -> (0)>
#map1 = affine_map<(d0, d1) -> (0, 0)>
#map2 = affine_map<(d0, d1) -> (0, 0, 0)>
module attributes {stable_mosaic.version = 14 : i64} {
  func.func @_sc_body(%arg0: i32, %arg1: i32, %arg2: memref<10240xf32, #tpu.memory_space<hbm>>, %arg3: memref<10240xf32, #tpu.memory_space<hbm>>, %arg4: memref<10240xf32, #tpu.memory_space<hbm>>, %arg5: memref<2560xf32, #tpu.memory_space<hbm>>, %arg6: memref<2560xf32, #tpu.memory_space<hbm>>, %arg7: memref<2560xf32, #tpu.memory_space<hbm>>, %arg8: memref<10240x128xf32, #tpu.memory_space<hbm>>, %arg9: memref<2560x64x128xf32, #tpu.memory_space<hbm>>, %arg10: memref<2560xi32, #tpu.memory_space<hbm>>, %arg11: memref<10240xf32, #tpu.memory_space<vmem>>, %arg12: memref<10240xf32, #tpu.memory_space<vmem>>, %arg13: memref<10240xf32, #tpu.memory_space<vmem>>, %arg14: memref<128xf32, #tpu.memory_space<vmem>>, %arg15: memref<128xf32, #tpu.memory_space<vmem>>, %arg16: memref<128xf32, #tpu.memory_space<vmem>>, %arg17: memref<128xi32, #tpu.memory_space<vmem>>, %arg18: memref<128xi32, #tpu.memory_space<vmem>>, %arg19: memref<128xi32, #tpu.memory_space<vmem>>, %arg20: memref<64x128xf32, #tpu.memory_space<vmem>>, %arg21: memref<64x128xf32, #tpu.memory_space<vmem>>, %arg22: memref<10240xf32, #tpu.memory_space<vmem>>, %arg23: memref<10240xf32, #tpu.memory_space<vmem>>, %arg24: memref<10240xf32, #tpu.memory_space<vmem>>, %arg25: memref<10240xf32, #tpu.memory_space<vmem>>, %arg26: memref<!tpu.dma_semaphore, #tpu.memory_space<semaphore_mem>>, %arg27: memref<!tpu.dma_semaphore, #tpu.memory_space<semaphore_mem>>, %arg28: memref<!tpu.dma_semaphore, #tpu.memory_space<semaphore_mem>>, %arg29: memref<!tpu.dma_semaphore, #tpu.memory_space<semaphore_mem>>) attributes {dimension_semantics = [#tpu.dimension_semantics<core_parallel>, #tpu.dimension_semantics<subcore_parallel>], iteration_bounds = array<i64: 2, 16>, scalar_prefetch = 0 : i64, scratch_operands = 19 : i64, tpu.core_type = #tpu.core_type<sc_vector_subcore>, window_params = [{transform_indices = #map}, {transform_indices = #map}, {transform_indices = #map}, {transform_indices = #map}, {transform_indices = #map}, {transform_indices = #map}, {transform_indices = #map1}, {transform_indices = #map2}, {transform_indices = #map}]} {
    %mul3A = arith.constant 2 : i32
    %mul3A_0 = arith.muli %arg1, %mul3A : i32
    %add3A = arith.addi %mul3A_0, %arg0 : i32
    %mul3A_1 = arith.constant 80 : i32
    %mul3A_2 = arith.muli %add3A, %mul3A_1 : i32
    "tpu.region"() ({
      %run_scoped3A = tpu.sem_alloc : memref<!tpu.dma_semaphore, #tpu.memory_space<semaphore_mem>>
      tpu.enqueue_dma source(%arg2 : memref<10240xf32, #tpu.memory_space<hbm>>) target(%arg11 : memref<10240xf32, #tpu.memory_space<vmem>>) target_semaphore(%run_scoped3A : memref<!tpu.dma_semaphore, #tpu.memory_space<semaphore_mem>>)
      tpu.wait_dma2 semaphore(%run_scoped3A : memref<!tpu.dma_semaphore, #tpu.memory_space<semaphore_mem>>) src(%arg2 : memref<10240xf32, #tpu.memory_space<hbm>>) dst(%arg11 : memref<10240xf32, #tpu.memory_space<vmem>>)
      tpu.yield
    }) : () -> ()
    "tpu.region"() ({
      %run_scoped3A = tpu.sem_alloc : memref<!tpu.dma_semaphore, #tpu.memory_space<semaphore_mem>>
      tpu.enqueue_dma source(%arg3 : memref<10240xf32, #tpu.memory_space<hbm>>) target(%arg12 : memref<10240xf32, #tpu.memory_space<vmem>>) target_semaphore(%run_scoped3A : memref<!tpu.dma_semaphore, #tpu.memory_space<semaphore_mem>>)
      tpu.wait_dma2 semaphore(%run_scoped3A : memref<!tpu.dma_semaphore, #tpu.memory_space<semaphore_mem>>) src(%arg3 : memref<10240xf32, #tpu.memory_space<hbm>>) dst(%arg12 : memref<10240xf32, #tpu.memory_space<vmem>>)
      tpu.yield
    }) : () -> ()
    "tpu.region"() ({
      %run_scoped3A = tpu.sem_alloc : memref<!tpu.dma_semaphore, #tpu.memory_space<semaphore_mem>>
      tpu.enqueue_dma source(%arg4 : memref<10240xf32, #tpu.memory_space<hbm>>) target(%arg13 : memref<10240xf32, #tpu.memory_space<vmem>>) target_semaphore(%run_scoped3A : memref<!tpu.dma_semaphore, #tpu.memory_space<semaphore_mem>>)
      tpu.wait_dma2 semaphore(%run_scoped3A : memref<!tpu.dma_semaphore, #tpu.memory_space<semaphore_mem>>) src(%arg4 : memref<10240xf32, #tpu.memory_space<hbm>>) dst(%arg13 : memref<10240xf32, #tpu.memory_space<vmem>>)
      tpu.yield
    }) : () -> ()
    %scan3A = arith.constant 0 : i32
    %scan3A_3 = arith.constant 0 : i32
    %scan3A_4 = arith.constant 640 : i32
    %scan3A_5 = arith.addi %scan3A_3, %scan3A_4 : i32
    %scan3A_6 = arith.constant 1 : i32
    %scan3A_7 = scf.for %scan3A_34 = %scan3A_3 to %scan3A_5 step %scan3A_6 iter_args(%scan3A_35 = %scan3A) -> (i32)  : i32 {
      %mul3A_36 = arith.constant 16 : i32
      %mul3A_37 = arith.muli %scan3A_34, %mul3A_36 : i32
      %get3A = arith.index_cast %mul3A_37 : i32 to index
      %get3A_38 = tpu.vector_load %arg11[%get3A] {strides = array<i32>} : memref<10240xf32, #tpu.memory_space<vmem>>, vector<16xf32>,
      %get3A_39 = arith.index_cast %mul3A_37 : i32 to index
      %get3A_40 = tpu.vector_load %arg12[%get3A_39] {strides = array<i32>} : memref<10240xf32, #tpu.memory_space<vmem>>, vector<16xf32>,
      %get3A_41 = arith.index_cast %mul3A_37 : i32 to index
      %get3A_42 = tpu.vector_load %arg13[%get3A_41] {strides = array<i32>} : memref<10240xf32, #tpu.memory_space<vmem>>, vector<16xf32>,
      %bitcast3A = vector.bitcast %get3A_38 : vector<16xf32> to vector<16xi32>
      %add3A_43 = arith.constant 32767 : i32
      %add3A_44 = vector.broadcast %add3A_43 : i32 to vector<16xi32>
      %add3A_45 = arith.addi %bitcast3A, %add3A_44 : vector<16xi32>
      %shift_right_arithmetic3A = arith.constant 16 : i32
      %shift_right_arithmetic3A_46 = vector.broadcast %shift_right_arithmetic3A : i32 to vector<16xi32>
      %shift_right_arithmetic3A_47 = arith.shrsi %bitcast3A, %shift_right_arithmetic3A_46 : vector<16xi32>
      %and3A = arith.constant 1 : i32
      %and3A_48 = vector.broadcast %and3A : i32 to vector<16xi32>
      %and3A_49 = arith.andi %shift_right_arithmetic3A_47, %and3A_48 : vector<16xi32>
      %add3A_50 = arith.addi %add3A_45, %and3A_49 : vector<16xi32>
      %and3A_51 = arith.constant -65536 : i32
      %and3A_52 = vector.broadcast %and3A_51 : i32 to vector<16xi32>
      %and3A_53 = arith.andi %add3A_50, %and3A_52 : vector<16xi32>
      %bitcast3A_54 = vector.bitcast %and3A_53 : vector<16xi32> to vector<16xf32>
      %swap3A_55 = arith.index_cast %mul3A_37 : i32 to index
      %swap3A_56 = tpu.vector_load %arg22[%swap3A_55] {strides = array<i32>} : memref<10240xf32, #tpu.memory_space<vmem>>, vector<16xf32>,
      tpu.vector_store %arg22[%swap3A_55], %bitcast3A_54 {strides = array<i32>} : memref<10240xf32, #tpu.memory_space<vmem>>, vector<16xf32>,
      %bitcast3A_57 = vector.bitcast %get3A_40 : vector<16xf32> to vector<16xi32>
      %add3A_58 = arith.constant 32767 : i32
      %add3A_59 = vector.broadcast %add3A_58 : i32 to vector<16xi32>
      %add3A_60 = arith.addi %bitcast3A_57, %add3A_59 : vector<16xi32>
      %shift_right_arithmetic3A_61 = arith.constant 16 : i32
      %shift_right_arithmetic3A_62 = vector.broadcast %shift_right_arithmetic3A_61 : i32 to vector<16xi32>
      %shift_right_arithmetic3A_63 = arith.shrsi %bitcast3A_57, %shift_right_arithmetic3A_62 : vector<16xi32>
      %and3A_64 = arith.constant 1 : i32
      %and3A_65 = vector.broadcast %and3A_64 : i32 to vector<16xi32>
      %and3A_66 = arith.andi %shift_right_arithmetic3A_63, %and3A_65 : vector<16xi32>
      %add3A_67 = arith.addi %add3A_60, %and3A_66 : vector<16xi32>
      %and3A_68 = arith.constant -65536 : i32
      %and3A_69 = vector.broadcast %and3A_68 : i32 to vector<16xi32>
      %and3A_70 = arith.andi %add3A_67, %and3A_69 : vector<16xi32>
      %bitcast3A_71 = vector.bitcast %and3A_70 : vector<16xi32> to vector<16xf32>
      %swap3A_72 = arith.index_cast %mul3A_37 : i32 to index
      %swap3A_73 = tpu.vector_load %arg23[%swap3A_72] {strides = array<i32>} : memref<10240xf32, #tpu.memory_space<vmem>>, vector<16xf32>,
      tpu.vector_store %arg23[%swap3A_72], %bitcast3A_71 {strides = array<i32>} : memref<10240xf32, #tpu.memory_space<vmem>>, vector<16xf32>,
      %bitcast3A_74 = vector.bitcast %get3A_42 : vector<16xf32> to vector<16xi32>
      %add3A_75 = arith.constant 32767 : i32
      %add3A_76 = vector.broadcast %add3A_75 : i32 to vector<16xi32>
      %add3A_77 = arith.addi %bitcast3A_74, %add3A_76 : vector<16xi32>
      %shift_right_arithmetic3A_78 = arith.constant 16 : i32
      %shift_right_arithmetic3A_79 = vector.broadcast %shift_right_arithmetic3A_78 : i32 to vector<16xi32>
      %shift_right_arithmetic3A_80 = arith.shrsi %bitcast3A_74, %shift_right_arithmetic3A_79 : vector<16xi32>
      %and3A_81 = arith.constant 1 : i32
      %and3A_82 = vector.broadcast %and3A_81 : i32 to vector<16xi32>
      %and3A_83 = arith.andi %shift_right_arithmetic3A_80, %and3A_82 : vector<16xi32>
      %add3A_84 = arith.addi %add3A_77, %and3A_83 : vector<16xi32>
      %and3A_85 = arith.constant -65536 : i32
      %and3A_86 = vector.broadcast %and3A_85 : i32 to vector<16xi32>
      %and3A_87 = arith.andi %add3A_84, %and3A_86 : vector<16xi32>
      %bitcast3A_88 = vector.bitcast %and3A_87 : vector<16xi32> to vector<16xf32>
      %swap3A_89 = arith.index_cast %mul3A_37 : i32 to index
      %swap3A_90 = tpu.vector_load %arg24[%swap3A_89] {strides = array<i32>} : memref<10240xf32, #tpu.memory_space<vmem>>, vector<16xf32>,
      tpu.vector_store %arg24[%swap3A_89], %bitcast3A_88 {strides = array<i32>} : memref<10240xf32, #tpu.memory_space<vmem>>, vector<16xf32>,
      %mul3A_91 = arith.mulf %get3A_38, %get3A_38 : vector<16xf32>
      %mul3A_92 = arith.mulf %get3A_40, %get3A_40 : vector<16xf32>
      %add3A_93 = arith.addf %mul3A_91, %mul3A_92 : vector<16xf32>
      %mul3A_94 = arith.mulf %get3A_42, %get3A_42 : vector<16xf32>
      %add3A_95 = arith.addf %add3A_93, %mul3A_94 : vector<16xf32>
      %swap3A_96 = arith.index_cast %mul3A_37 : i32 to index
      %swap3A_97 = tpu.vector_load %arg25[%swap3A_96] {strides = array<i32>} : memref<10240xf32, #tpu.memory_space<vmem>>, vector<16xf32>,
      tpu.vector_store %arg25[%swap3A_96], %add3A_95 {strides = array<i32>} : memref<10240xf32, #tpu.memory_space<vmem>>, vector<16xf32>,
      %scan3A_98 = arith.constant 0 : i32
      scf.yield %scan3A_98 : i32
    }
    %scan3A_8 = arith.constant 640 : i32
    "tpu.region"() ({
      %run_scoped3A = tpu.sem_alloc : memref<!tpu.dma_semaphore, #tpu.memory_space<semaphore_mem>>
      %dma_start3A = arith.constant 0 : i32
      %dma_start3A_34 = tpu.memref_slice %arg14[%dma_start3A] : memref<128xf32, #tpu.memory_space<vmem>> -> memref<80xf32, #tpu.memory_space<vmem>>
      %dma_start3A_35 = tpu.memref_slice %arg5[%mul3A_2] : memref<2560xf32, #tpu.memory_space<hbm>> -> memref<80xf32, #tpu.memory_space<hbm>>
      %dma_start3A_36 = arith.constant 0 : i32
      %dma_start3A_37 = tpu.memref_slice %arg14[%dma_start3A_36] : memref<128xf32, #tpu.memory_space<vmem>> -> memref<80xf32, #tpu.memory_space<vmem>>
      %dma_start3A_38 = tpu.memref_slice %arg5[%mul3A_2] : memref<2560xf32, #tpu.memory_space<hbm>> -> memref<80xf32, #tpu.memory_space<hbm>>
      tpu.enqueue_dma source(%dma_start3A_38 : memref<80xf32, #tpu.memory_space<hbm>>) target(%dma_start3A_37 : memref<80xf32, #tpu.memory_space<vmem>>) target_semaphore(%run_scoped3A : memref<!tpu.dma_semaphore, #tpu.memory_space<semaphore_mem>>)
      %dma_wait3A = arith.constant 0 : i32
      %dma_wait3A_39 = tpu.memref_slice %arg14[%dma_wait3A] : memref<128xf32, #tpu.memory_space<vmem>> -> memref<80xf32, #tpu.memory_space<vmem>>
      %dma_wait3A_40 = tpu.memref_slice %arg5[%mul3A_2] : memref<2560xf32, #tpu.memory_space<hbm>> -> memref<80xf32, #tpu.memory_space<hbm>>
      %dma_wait3A_41 = arith.constant 0 : i32
      %dma_wait3A_42 = tpu.memref_slice %arg14[%dma_wait3A_41] : memref<128xf32, #tpu.memory_space<vmem>> -> memref<80xf32, #tpu.memory_space<vmem>>
      %dma_wait3A_43 = tpu.memref_slice %arg5[%mul3A_2] : memref<2560xf32, #tpu.memory_space<hbm>> -> memref<80xf32, #tpu.memory_space<hbm>>
      tpu.wait_dma2 semaphore(%run_scoped3A : memref<!tpu.dma_semaphore, #tpu.memory_space<semaphore_mem>>) src(%dma_wait3A_43 : memref<80xf32, #tpu.memory_space<hbm>>) dst(%dma_wait3A_42 : memref<80xf32, #tpu.memory_space<vmem>>)
      tpu.yield
    }) : () -> ()
    "tpu.region"() ({
      %run_scoped3A = tpu.sem_alloc : memref<!tpu.dma_semaphore, #tpu.memory_space<semaphore_mem>>
      %dma_start3A = arith.constant 0 : i32
      %dma_start3A_34 = tpu.memref_slice %arg15[%dma_start3A] : memref<128xf32, #tpu.memory_space<vmem>> -> memref<80xf32, #tpu.memory_space<vmem>>
      %dma_start3A_35 = tpu.memref_slice %arg6[%mul3A_2] : memref<2560xf32, #tpu.memory_space<hbm>> -> memref<80xf32, #tpu.memory_space<hbm>>
      %dma_start3A_36 = arith.constant 0 : i32
      %dma_start3A_37 = tpu.memref_slice %arg15[%dma_start3A_36] : memref<128xf32, #tpu.memory_space<vmem>> -> memref<80xf32, #tpu.memory_space<vmem>>
      %dma_start3A_38 = tpu.memref_slice %arg6[%mul3A_2] : memref<2560xf32, #tpu.memory_space<hbm>> -> memref<80xf32, #tpu.memory_space<hbm>>
      tpu.enqueue_dma source(%dma_start3A_38 : memref<80xf32, #tpu.memory_space<hbm>>) target(%dma_start3A_37 : memref<80xf32, #tpu.memory_space<vmem>>) target_semaphore(%run_scoped3A : memref<!tpu.dma_semaphore, #tpu.memory_space<semaphore_mem>>)
      %dma_wait3A = arith.constant 0 : i32
      %dma_wait3A_39 = tpu.memref_slice %arg15[%dma_wait3A] : memref<128xf32, #tpu.memory_space<vmem>> -> memref<80xf32, #tpu.memory_space<vmem>>
      %dma_wait3A_40 = tpu.memref_slice %arg6[%mul3A_2] : memref<2560xf32, #tpu.memory_space<hbm>> -> memref<80xf32, #tpu.memory_space<hbm>>
      %dma_wait3A_41 = arith.constant 0 : i32
      %dma_wait3A_42 = tpu.memref_slice %arg15[%dma_wait3A_41] : memref<128xf32, #tpu.memory_space<vmem>> -> memref<80xf32, #tpu.memory_space<vmem>>
      %dma_wait3A_43 = tpu.memref_slice %arg6[%mul3A_2] : memref<2560xf32, #tpu.memory_space<hbm>> -> memref<80xf32, #tpu.memory_space<hbm>>
      tpu.wait_dma2 semaphore(%run_scoped3A : memref<!tpu.dma_semaphore, #tpu.memory_space<semaphore_mem>>) src(%dma_wait3A_43 : memref<80xf32, #tpu.memory_space<hbm>>) dst(%dma_wait3A_42 : memref<80xf32, #tpu.memory_space<vmem>>)
      tpu.yield
    }) : () -> ()
    "tpu.region"() ({
      %run_scoped3A = tpu.sem_alloc : memref<!tpu.dma_semaphore, #tpu.memory_space<semaphore_mem>>
      %dma_start3A = arith.constant 0 : i32
      %dma_start3A_34 = tpu.memref_slice %arg16[%dma_start3A] : memref<128xf32, #tpu.memory_space<vmem>> -> memref<80xf32, #tpu.memory_space<vmem>>
      %dma_start3A_35 = tpu.memref_slice %arg7[%mul3A_2] : memref<2560xf32, #tpu.memory_space<hbm>> -> memref<80xf32, #tpu.memory_space<hbm>>
      %dma_start3A_36 = arith.constant 0 : i32
      %dma_start3A_37 = tpu.memref_slice %arg16[%dma_start3A_36] : memref<128xf32, #tpu.memory_space<vmem>> -> memref<80xf32, #tpu.memory_space<vmem>>
      %dma_start3A_38 = tpu.memref_slice %arg7[%mul3A_2] : memref<2560xf32, #tpu.memory_space<hbm>> -> memref<80xf32, #tpu.memory_space<hbm>>
      tpu.enqueue_dma source(%dma_start3A_38 : memref<80xf32, #tpu.memory_space<hbm>>) target(%dma_start3A_37 : memref<80xf32, #tpu.memory_space<vmem>>) target_semaphore(%run_scoped3A : memref<!tpu.dma_semaphore, #tpu.memory_space<semaphore_mem>>)
      %dma_wait3A = arith.constant 0 : i32
      %dma_wait3A_39 = tpu.memref_slice %arg16[%dma_wait3A] : memref<128xf32, #tpu.memory_space<vmem>> -> memref<80xf32, #tpu.memory_space<vmem>>
      %dma_wait3A_40 = tpu.memref_slice %arg7[%mul3A_2] : memref<2560xf32, #tpu.memory_space<hbm>> -> memref<80xf32, #tpu.memory_space<hbm>>
      %dma_wait3A_41 = arith.constant 0 : i32
      %dma_wait3A_42 = tpu.memref_slice %arg16[%dma_wait3A_41] : memref<128xf32, #tpu.memory_space<vmem>> -> memref<80xf32, #tpu.memory_space<vmem>>
      %dma_wait3A_43 = tpu.memref_slice %arg7[%mul3A_2] : memref<2560xf32, #tpu.memory_space<hbm>> -> memref<80xf32, #tpu.memory_space<hbm>>
      tpu.wait_dma2 semaphore(%run_scoped3A : memref<!tpu.dma_semaphore, #tpu.memory_space<semaphore_mem>>) src(%dma_wait3A_43 : memref<80xf32, #tpu.memory_space<hbm>>) dst(%dma_wait3A_42 : memref<80xf32, #tpu.memory_space<vmem>>)
      tpu.yield
    }) : () -> ()
    %broadcast_in_dim3A = arith.constant 0 : i32
    %broadcast_in_dim3A_9 = vector.broadcast %broadcast_in_dim3A : i32 to vector<16xi32>
    %swap3A = arith.constant 0 : index
    %swap3A_10 = tpu.vector_load %arg19[%swap3A] {strides = array<i32>} : memref<128xi32, #tpu.memory_space<vmem>>, vector<16xi32>,
    tpu.vector_store %arg19[%swap3A], %broadcast_in_dim3A_9 {strides = array<i32>} : memref<128xi32, #tpu.memory_space<vmem>>, vector<16xi32>,
    %swap3A_11 = arith.constant 16 : index
    %swap3A_12 = tpu.vector_load %arg19[%swap3A_11] {strides = array<i32>} : memref<128xi32, #tpu.memory_space<vmem>>, vector<16xi32>,
    tpu.vector_store %arg19[%swap3A_11], %broadcast_in_dim3A_9 {strides = array<i32>} : memref<128xi32, #tpu.memory_space<vmem>>, vector<16xi32>,
    %swap3A_13 = arith.constant 32 : index
    %swap3A_14 = tpu.vector_load %arg19[%swap3A_13] {strides = array<i32>} : memref<128xi32, #tpu.memory_space<vmem>>, vector<16xi32>,
    tpu.vector_store %arg19[%swap3A_13], %broadcast_in_dim3A_9 {strides = array<i32>} : memref<128xi32, #tpu.memory_space<vmem>>, vector<16xi32>,
    %swap3A_15 = arith.constant 48 : index
    %swap3A_16 = tpu.vector_load %arg19[%swap3A_15] {strides = array<i32>} : memref<128xi32, #tpu.memory_space<vmem>>, vector<16xi32>,
    tpu.vector_store %arg19[%swap3A_15], %broadcast_in_dim3A_9 {strides = array<i32>} : memref<128xi32, #tpu.memory_space<vmem>>, vector<16xi32>,
    %swap3A_17 = arith.constant 64 : index
    %swap3A_18 = tpu.vector_load %arg19[%swap3A_17] {strides = array<i32>} : memref<128xi32, #tpu.memory_space<vmem>>, vector<16xi32>,
    tpu.vector_store %arg19[%swap3A_17], %broadcast_in_dim3A_9 {strides = array<i32>} : memref<128xi32, #tpu.memory_space<vmem>>, vector<16xi32>,
    %swap3A_19 = arith.constant 80 : index
    %swap3A_20 = tpu.vector_load %arg19[%swap3A_19] {strides = array<i32>} : memref<128xi32, #tpu.memory_space<vmem>>, vector<16xi32>,
    tpu.vector_store %arg19[%swap3A_19], %broadcast_in_dim3A_9 {strides = array<i32>} : memref<128xi32, #tpu.memory_space<vmem>>, vector<16xi32>,
    %swap3A_21 = arith.constant 96 : index
    %swap3A_22 = tpu.vector_load %arg19[%swap3A_21] {strides = array<i32>} : memref<128xi32, #tpu.memory_space<vmem>>, vector<16xi32>,
    tpu.vector_store %arg19[%swap3A_21], %broadcast_in_dim3A_9 {strides = array<i32>} : memref<128xi32, #tpu.memory_space<vmem>>, vector<16xi32>,
    %swap3A_23 = arith.constant 112 : index
    %swap3A_24 = tpu.vector_load %arg19[%swap3A_23] {strides = array<i32>} : memref<128xi32, #tpu.memory_space<vmem>>, vector<16xi32>,
    tpu.vector_store %arg19[%swap3A_23], %broadcast_in_dim3A_9 {strides = array<i32>} : memref<128xi32, #tpu.memory_space<vmem>>, vector<16xi32>,
    %iota3A = tpu.iota {dimensions = array<i32: 0>} : vector<16xi32>
    %eq3A = arith.constant 0 : i32
    %eq3A_25 = vector.broadcast %eq3A : i32 to vector<16xi32>
    %eq3A_26 = arith.cmpi eq, %iota3A, %eq3A_25 : vector<16xi32>
    %scan3A_27 = arith.constant 0 : i32
    %scan3A_28 = arith.constant 0 : i32
    %scan3A_29 = arith.constant 80 : i32
    %scan3A_30 = arith.addi %scan3A_28, %scan3A_29 : i32
    %scan3A_31 = arith.constant 1 : i32
    %scan3A_32 = scf.for %scan3A_34 = %scan3A_28 to %scan3A_30 step %scan3A_31 iter_args(%scan3A_35 = %scan3A_27) -> (i32)  : i32 {
      %add3A_36 = arith.addi %mul3A_2, %scan3A_34 : i32
      %lt3A = arith.constant 2500 : i32
      %lt3A_37 = arith.cmpi slt, %add3A_36, %lt3A : i32
      %convert_element_type3A = arith.extui %lt3A_37 : i1 to i32
      %cond3A = arith.constant 0 : i32
      %cond3A_38 = arith.cmpi ne, %convert_element_type3A, %cond3A : i32
      scf.if %cond3A_38 {
        %broadcast_in_dim3A_40 = vector.broadcast %scan3A_34 : i32 to vector<16xi32>
        %gather3A = tpu.vector_load_idx %arg14[%broadcast_in_dim3A_40] : memref<128xf32, #tpu.memory_space<vmem>>[vector<16xi32>], vector<16xf32>,
        %gather3A_41 = tpu.vector_load_idx %arg15[%broadcast_in_dim3A_40] : memref<128xf32, #tpu.memory_space<vmem>>[vector<16xi32>], vector<16xf32>,
        %gather3A_42 = tpu.vector_load_idx %arg16[%broadcast_in_dim3A_40] : memref<128xf32, #tpu.memory_space<vmem>>[vector<16xi32>], vector<16xf32>,
        %bitcast3A = vector.bitcast %gather3A : vector<16xf32> to vector<16xi32>
        %add3A_43 = arith.constant 32767 : i32
        %add3A_44 = vector.broadcast %add3A_43 : i32 to vector<16xi32>
        %add3A_45 = arith.addi %bitcast3A, %add3A_44 : vector<16xi32>
        %shift_right_arithmetic3A = arith.constant 16 : i32
        %shift_right_arithmetic3A_46 = vector.broadcast %shift_right_arithmetic3A : i32 to vector<16xi32>
        %shift_right_arithmetic3A_47 = arith.shrsi %bitcast3A, %shift_right_arithmetic3A_46 : vector<16xi32>
        %and3A = arith.constant 1 : i32
        %and3A_48 = vector.broadcast %and3A : i32 to vector<16xi32>
        %and3A_49 = arith.andi %shift_right_arithmetic3A_47, %and3A_48 : vector<16xi32>
        %add3A_50 = arith.addi %add3A_45, %and3A_49 : vector<16xi32>
        %and3A_51 = arith.constant -65536 : i32
        %and3A_52 = vector.broadcast %and3A_51 : i32 to vector<16xi32>
        %and3A_53 = arith.andi %add3A_50, %and3A_52 : vector<16xi32>
        %bitcast3A_54 = vector.bitcast %and3A_53 : vector<16xi32> to vector<16xf32>
        %bitcast3A_55 = vector.bitcast %gather3A_41 : vector<16xf32> to vector<16xi32>
        %add3A_56 = arith.constant 32767 : i32
        %add3A_57 = vector.broadcast %add3A_56 : i32 to vector<16xi32>
        %add3A_58 = arith.addi %bitcast3A_55, %add3A_57 : vector<16xi32>
        %shift_right_arithmetic3A_59 = arith.constant 16 : i32
        %shift_right_arithmetic3A_60 = vector.broadcast %shift_right_arithmetic3A_59 : i32 to vector<16xi32>
        %shift_right_arithmetic3A_61 = arith.shrsi %bitcast3A_55, %shift_right_arithmetic3A_60 : vector<16xi32>
        %and3A_62 = arith.constant 1 : i32
        %and3A_63 = vector.broadcast %and3A_62 : i32 to vector<16xi32>
        %and3A_64 = arith.andi %shift_right_arithmetic3A_61, %and3A_63 : vector<16xi32>
        %add3A_65 = arith.addi %add3A_58, %and3A_64 : vector<16xi32>
        %and3A_66 = arith.constant -65536 : i32
        %and3A_67 = vector.broadcast %and3A_66 : i32 to vector<16xi32>
        %and3A_68 = arith.andi %add3A_65, %and3A_67 : vector<16xi32>
        %bitcast3A_69 = vector.bitcast %and3A_68 : vector<16xi32> to vector<16xf32>
        %bitcast3A_70 = vector.bitcast %gather3A_42 : vector<16xf32> to vector<16xi32>
        %add3A_71 = arith.constant 32767 : i32
        %add3A_72 = vector.broadcast %add3A_71 : i32 to vector<16xi32>
        %add3A_73 = arith.addi %bitcast3A_70, %add3A_72 : vector<16xi32>
        %shift_right_arithmetic3A_74 = arith.constant 16 : i32
        %shift_right_arithmetic3A_75 = vector.broadcast %shift_right_arithmetic3A_74 : i32 to vector<16xi32>
        %shift_right_arithmetic3A_76 = arith.shrsi %bitcast3A_70, %shift_right_arithmetic3A_75 : vector<16xi32>
        %and3A_77 = arith.constant 1 : i32
        %and3A_78 = vector.broadcast %and3A_77 : i32 to vector<16xi32>
        %and3A_79 = arith.andi %shift_right_arithmetic3A_76, %and3A_78 : vector<16xi32>
        %add3A_80 = arith.addi %add3A_73, %and3A_79 : vector<16xi32>
        %and3A_81 = arith.constant -65536 : i32
        %and3A_82 = vector.broadcast %and3A_81 : i32 to vector<16xi32>
        %and3A_83 = arith.andi %add3A_80, %and3A_82 : vector<16xi32>
        %bitcast3A_84 = vector.bitcast %and3A_83 : vector<16xi32> to vector<16xf32>
        %mul3A_85 = arith.mulf %gather3A, %gather3A : vector<16xf32>
        %mul3A_86 = arith.mulf %gather3A_41, %gather3A_41 : vector<16xf32>
        %add3A_87 = arith.addf %mul3A_85, %mul3A_86 : vector<16xf32>
        %mul3A_88 = arith.mulf %gather3A_42, %gather3A_42 : vector<16xf32>
        %add3A_89 = arith.addf %add3A_87, %mul3A_88 : vector<16xf32>
        %swap3A_90 = arith.constant 0 : index
        %swap3A_91 = tpu.vector_load %arg17[%swap3A_90] {strides = array<i32>} : memref<128xi32, #tpu.memory_space<vmem>>, vector<16xi32>,
        tpu.vector_store %arg17[%swap3A_90], %broadcast_in_dim3A_9 {strides = array<i32>} : memref<128xi32, #tpu.memory_space<vmem>>, vector<16xi32>,
        %swap3A_92 = arith.constant 16 : index
        %swap3A_93 = tpu.vector_load %arg17[%swap3A_92] {strides = array<i32>} : memref<128xi32, #tpu.memory_space<vmem>>, vector<16xi32>,
        tpu.vector_store %arg17[%swap3A_92], %broadcast_in_dim3A_9 {strides = array<i32>} : memref<128xi32, #tpu.memory_space<vmem>>, vector<16xi32>,
        %swap3A_94 = arith.constant 32 : index
        %swap3A_95 = tpu.vector_load %arg17[%swap3A_94] {strides = array<i32>} : memref<128xi32, #tpu.memory_space<vmem>>, vector<16xi32>,
        tpu.vector_store %arg17[%swap3A_94], %broadcast_in_dim3A_9 {strides = array<i32>} : memref<128xi32, #tpu.memory_space<vmem>>, vector<16xi32>,
        %swap3A_96 = arith.constant 48 : index
        %swap3A_97 = tpu.vector_load %arg17[%swap3A_96] {strides = array<i32>} : memref<128xi32, #tpu.memory_space<vmem>>, vector<16xi32>,
        tpu.vector_store %arg17[%swap3A_96], %broadcast_in_dim3A_9 {strides = array<i32>} : memref<128xi32, #tpu.memory_space<vmem>>, vector<16xi32>,
        %swap3A_98 = arith.constant 64 : index
        %swap3A_99 = tpu.vector_load %arg17[%swap3A_98] {strides = array<i32>} : memref<128xi32, #tpu.memory_space<vmem>>, vector<16xi32>,
        tpu.vector_store %arg17[%swap3A_98], %broadcast_in_dim3A_9 {strides = array<i32>} : memref<128xi32, #tpu.memory_space<vmem>>, vector<16xi32>,
        %while3A = arith.constant 0 : i32
        %while3A_100 = arith.constant 0 : i32
        %while3A_101:2 = scf.while (%while3A_112 = %while3A, %while3A_113 = %while3A_100) : (i32, i32) -> (i32, i32) {
          %lt3A_114 = arith.constant 64 : i32
          %lt3A_115 = arith.cmpi slt, %while3A_113, %lt3A_114 : i32
          %lt3A_116 = arith.constant 640 : i32
          %lt3A_117 = arith.cmpi slt, %while3A_112, %lt3A_116 : i32
          %and3A_118 = arith.andi %lt3A_115, %lt3A_117 : i1
          scf.condition(%and3A_118) %while3A_112, %while3A_113 : i32, i32
        } do {
        ^bb0(%while3A_112: i32, %while3A_113: i32):
          %add3A_114 = arith.constant 0 : i32
          %add3A_115 = arith.addi %while3A_112, %add3A_114 : i32
          %mul3A_116 = arith.constant 16 : i32
          %mul3A_117 = arith.muli %add3A_115, %mul3A_116 : i32
          %get3A = arith.index_cast %mul3A_117 : i32 to index
          %get3A_118 = tpu.vector_load %arg22[%get3A] {strides = array<i32>} : memref<10240xf32, #tpu.memory_space<vmem>>, vector<16xf32>,
          %mul3A_119 = arith.mulf %get3A_118, %bitcast3A_54 : vector<16xf32>
          %get3A_120 = arith.index_cast %mul3A_117 : i32 to index
          %get3A_121 = tpu.vector_load %arg23[%get3A_120] {strides = array<i32>} : memref<10240xf32, #tpu.memory_space<vmem>>, vector<16xf32>,
          %mul3A_122 = arith.mulf %get3A_121, %bitcast3A_69 : vector<16xf32>
          %add3A_123 = arith.addf %mul3A_119, %mul3A_122 : vector<16xf32>
          %get3A_124 = arith.index_cast %mul3A_117 : i32 to index
          %get3A_125 = tpu.vector_load %arg24[%get3A_124] {strides = array<i32>} : memref<10240xf32, #tpu.memory_space<vmem>>, vector<16xf32>,
          %mul3A_126 = arith.mulf %get3A_125, %bitcast3A_84 : vector<16xf32>
          %add3A_127 = arith.addf %add3A_123, %mul3A_126 : vector<16xf32>
          %get3A_128 = arith.index_cast %mul3A_117 : i32 to index
          %get3A_129 = tpu.vector_load %arg25[%get3A_128] {strides = array<i32>} : memref<10240xf32, #tpu.memory_space<vmem>>, vector<16xf32>,
          %add3A_130 = arith.addf %add3A_89, %get3A_129 : vector<16xf32>
          %mul3A_131 = arith.constant 2.000000e+00 : f32
          %mul3A_132 = vector.broadcast %mul3A_131 : f32 to vector<16xf32>
          %mul3A_133 = arith.mulf %mul3A_132, %add3A_127 : vector<16xf32>
          %sub3A = arith.subf %add3A_130, %mul3A_133 : vector<16xf32>
          %le3A = arith.constant 4.000000e-02 : f32
          %le3A_134 = vector.broadcast %le3A : f32 to vector<16xf32>
          %le3A_135 = arith.cmpf ole, %sub3A, %le3A_134 : vector<16xf32>
          %add3A_136 = vector.broadcast %mul3A_117 : i32 to vector<16xi32>
          %add3A_137 = arith.addi %add3A_136, %iota3A : vector<16xi32>
          %swap3A_138 = arith.index_cast %while3A_113 : i32 to index
          %swap3A_139 = tpu.vector_load %arg17[%swap3A_138] masked %le3A_135 {strides = array<i32>} : memref<128xi32, #tpu.memory_space<vmem>>, vector<16xi32>, vector<16xi1>
          tpu.vector_store %arg17[%swap3A_138], %add3A_137 masked %le3A_135 {strides = array<i32>} : memref<128xi32, #tpu.memory_space<vmem>>, vector<16xi32>, vector<16xi1>
          %convert_element_type3A_140 = arith.extui %le3A_135 : vector<16xi1> to vector<16xi32>
          %reduce_sum3A = arith.constant true
          %reduce_sum3A_141 = vector.broadcast %reduce_sum3A : i1 to vector<16xi1>
          %reduce_sum3A_142 = tpu.scan <sum>, %convert_element_type3A_140 masked %reduce_sum3A_141 : vector<16xi32>, vector<16xi1> -> vector<16xi32>
          %reduce_sum3A_143 = vector.extract %reduce_sum3A_142[15] : i32 from vector<16xi32>
          %add3A_144 = arith.addi %while3A_113, %reduce_sum3A_143 : i32
          %add3A_145 = arith.constant 1 : i32
          %add3A_146 = arith.addi %while3A_112, %add3A_145 : i32
          %mul3A_147 = arith.constant 16 : i32
          %mul3A_148 = arith.muli %add3A_146, %mul3A_147 : i32
          %get3A_149 = arith.index_cast %mul3A_148 : i32 to index
          %get3A_150 = tpu.vector_load %arg22[%get3A_149] {strides = array<i32>} : memref<10240xf32, #tpu.memory_space<vmem>>, vector<16xf32>,
          %mul3A_151 = arith.mulf %get3A_150, %bitcast3A_54 : vector<16xf32>
          %get3A_152 = arith.index_cast %mul3A_148 : i32 to index
          %get3A_153 = tpu.vector_load %arg23[%get3A_152] {strides = array<i32>} : memref<10240xf32, #tpu.memory_space<vmem>>, vector<16xf32>,
          %mul3A_154 = arith.mulf %get3A_153, %bitcast3A_69 : vector<16xf32>
          %add3A_155 = arith.addf %mul3A_151, %mul3A_154 : vector<16xf32>
          %get3A_156 = arith.index_cast %mul3A_148 : i32 to index
          %get3A_157 = tpu.vector_load %arg24[%get3A_156] {strides = array<i32>} : memref<10240xf32, #tpu.memory_space<vmem>>, vector<16xf32>,
          %mul3A_158 = arith.mulf %get3A_157, %bitcast3A_84 : vector<16xf32>
          %add3A_159 = arith.addf %add3A_155, %mul3A_158 : vector<16xf32>
          %get3A_160 = arith.index_cast %mul3A_148 : i32 to index
          %get3A_161 = tpu.vector_load %arg25[%get3A_160] {strides = array<i32>} : memref<10240xf32, #tpu.memory_space<vmem>>, vector<16xf32>,
          %add3A_162 = arith.addf %add3A_89, %get3A_161 : vector<16xf32>
          %mul3A_163 = arith.constant 2.000000e+00 : f32
          %mul3A_164 = vector.broadcast %mul3A_163 : f32 to vector<16xf32>
          %mul3A_165 = arith.mulf %mul3A_164, %add3A_159 : vector<16xf32>
          %sub3A_166 = arith.subf %add3A_162, %mul3A_165 : vector<16xf32>
          %le3A_167 = arith.constant 4.000000e-02 : f32
          %le3A_168 = vector.broadcast %le3A_167 : f32 to vector<16xf32>
          %le3A_169 = arith.cmpf ole, %sub3A_166, %le3A_168 : vector<16xf32>
          %add3A_170 = vector.broadcast %mul3A_148 : i32 to vector<16xi32>
          %add3A_171 = arith.addi %add3A_170, %iota3A : vector<16xi32>
          %swap3A_172 = arith.index_cast %add3A_144 : i32 to index
          %swap3A_173 = tpu.vector_load %arg17[%swap3A_172] masked %le3A_169 {strides = array<i32>} : memref<128xi32, #tpu.memory_space<vmem>>, vector<16xi32>, vector<16xi1>
          tpu.vector_store %arg17[%swap3A_172], %add3A_171 masked %le3A_169 {strides = array<i32>} : memref<128xi32, #tpu.memory_space<vmem>>, vector<16xi32>, vector<16xi1>
          %convert_element_type3A_174 = arith.extui %le3A_169 : vector<16xi1> to vector<16xi32>
          %reduce_sum3A_175 = arith.constant true
          %reduce_sum3A_176 = vector.broadcast %reduce_sum3A_175 : i1 to vector<16xi1>
          %reduce_sum3A_177 = tpu.scan <sum>, %convert_element_type3A_174 masked %reduce_sum3A_176 : vector<16xi32>, vector<16xi1> -> vector<16xi32>
          %reduce_sum3A_178 = vector.extract %reduce_sum3A_177[15] : i32 from vector<16xi32>
          %add3A_179 = arith.addi %add3A_144, %reduce_sum3A_178 : i32
          %add3A_180 = arith.constant 2 : i32
          %add3A_181 = arith.addi %while3A_112, %add3A_180 : i32
          %mul3A_182 = arith.constant 16 : i32
          %mul3A_183 = arith.muli %add3A_181, %mul3A_182 : i32
          %get3A_184 = arith.index_cast %mul3A_183 : i32 to index
          %get3A_185 = tpu.vector_load %arg22[%get3A_184] {strides = array<i32>} : memref<10240xf32, #tpu.memory_space<vmem>>, vector<16xf32>,
          %mul3A_186 = arith.mulf %get3A_185, %bitcast3A_54 : vector<16xf32>
          %get3A_187 = arith.index_cast %mul3A_183 : i32 to index
          %get3A_188 = tpu.vector_load %arg23[%get3A_187] {strides = array<i32>} : memref<10240xf32, #tpu.memory_space<vmem>>, vector<16xf32>,
          %mul3A_189 = arith.mulf %get3A_188, %bitcast3A_69 : vector<16xf32>
          %add3A_190 = arith.addf %mul3A_186, %mul3A_189 : vector<16xf32>
          %get3A_191 = arith.index_cast %mul3A_183 : i32 to index
          %get3A_192 = tpu.vector_load %arg24[%get3A_191] {strides = array<i32>} : memref<10240xf32, #tpu.memory_space<vmem>>, vector<16xf32>,
          %mul3A_193 = arith.mulf %get3A_192, %bitcast3A_84 : vector<16xf32>
          %add3A_194 = arith.addf %add3A_190, %mul3A_193 : vector<16xf32>
          %get3A_195 = arith.index_cast %mul3A_183 : i32 to index
          %get3A_196 = tpu.vector_load %arg25[%get3A_195] {strides = array<i32>} : memref<10240xf32, #tpu.memory_space<vmem>>, vector<16xf32>,
          %add3A_197 = arith.addf %add3A_89, %get3A_196 : vector<16xf32>
          %mul3A_198 = arith.constant 2.000000e+00 : f32
          %mul3A_199 = vector.broadcast %mul3A_198 : f32 to vector<16xf32>
          %mul3A_200 = arith.mulf %mul3A_199, %add3A_194 : vector<16xf32>
          %sub3A_201 = arith.subf %add3A_197, %mul3A_200 : vector<16xf32>
          %le3A_202 = arith.constant 4.000000e-02 : f32
          %le3A_203 = vector.broadcast %le3A_202 : f32 to vector<16xf32>
          %le3A_204 = arith.cmpf ole, %sub3A_201, %le3A_203 : vector<16xf32>
          %add3A_205 = vector.broadcast %mul3A_183 : i32 to vector<16xi32>
          %add3A_206 = arith.addi %add3A_205, %iota3A : vector<16xi32>
          %swap3A_207 = arith.index_cast %add3A_179 : i32 to index
          %swap3A_208 = tpu.vector_load %arg17[%swap3A_207] masked %le3A_204 {strides = array<i32>} : memref<128xi32, #tpu.memory_space<vmem>>, vector<16xi32>, vector<16xi1>
          tpu.vector_store %arg17[%swap3A_207], %add3A_206 masked %le3A_204 {strides = array<i32>} : memref<128xi32, #tpu.memory_space<vmem>>, vector<16xi32>, vector<16xi1>
          %convert_element_type3A_209 = arith.extui %le3A_204 : vector<16xi1> to vector<16xi32>
          %reduce_sum3A_210 = arith.constant true
          %reduce_sum3A_211 = vector.broadcast %reduce_sum3A_210 : i1 to vector<16xi1>
          %reduce_sum3A_212 = tpu.scan <sum>, %convert_element_type3A_209 masked %reduce_sum3A_211 : vector<16xi32>, vector<16xi1> -> vector<16xi32>
          %reduce_sum3A_213 = vector.extract %reduce_sum3A_212[15] : i32 from vector<16xi32>
          %add3A_214 = arith.addi %add3A_179, %reduce_sum3A_213 : i32
          %add3A_215 = arith.constant 3 : i32
          %add3A_216 = arith.addi %while3A_112, %add3A_215 : i32
          %mul3A_217 = arith.constant 16 : i32
          %mul3A_218 = arith.muli %add3A_216, %mul3A_217 : i32
          %get3A_219 = arith.index_cast %mul3A_218 : i32 to index
          %get3A_220 = tpu.vector_load %arg22[%get3A_219] {strides = array<i32>} : memref<10240xf32, #tpu.memory_space<vmem>>, vector<16xf32>,
          %mul3A_221 = arith.mulf %get3A_220, %bitcast3A_54 : vector<16xf32>
          %get3A_222 = arith.index_cast %mul3A_218 : i32 to index
          %get3A_223 = tpu.vector_load %arg23[%get3A_222] {strides = array<i32>} : memref<10240xf32, #tpu.memory_space<vmem>>, vector<16xf32>,
          %mul3A_224 = arith.mulf %get3A_223, %bitcast3A_69 : vector<16xf32>
          %add3A_225 = arith.addf %mul3A_221, %mul3A_224 : vector<16xf32>
          %get3A_226 = arith.index_cast %mul3A_218 : i32 to index
          %get3A_227 = tpu.vector_load %arg24[%get3A_226] {strides = array<i32>} : memref<10240xf32, #tpu.memory_space<vmem>>, vector<16xf32>,
          %mul3A_228 = arith.mulf %get3A_227, %bitcast3A_84 : vector<16xf32>
          %add3A_229 = arith.addf %add3A_225, %mul3A_228 : vector<16xf32>
          %get3A_230 = arith.index_cast %mul3A_218 : i32 to index
          %get3A_231 = tpu.vector_load %arg25[%get3A_230] {strides = array<i32>} : memref<10240xf32, #tpu.memory_space<vmem>>, vector<16xf32>,
          %add3A_232 = arith.addf %add3A_89, %get3A_231 : vector<16xf32>
          %mul3A_233 = arith.constant 2.000000e+00 : f32
          %mul3A_234 = vector.broadcast %mul3A_233 : f32 to vector<16xf32>
          %mul3A_235 = arith.mulf %mul3A_234, %add3A_229 : vector<16xf32>
          %sub3A_236 = arith.subf %add3A_232, %mul3A_235 : vector<16xf32>
          %le3A_237 = arith.constant 4.000000e-02 : f32
          %le3A_238 = vector.broadcast %le3A_237 : f32 to vector<16xf32>
          %le3A_239 = arith.cmpf ole, %sub3A_236, %le3A_238 : vector<16xf32>
          %add3A_240 = vector.broadcast %mul3A_218 : i32 to vector<16xi32>
          %add3A_241 = arith.addi %add3A_240, %iota3A : vector<16xi32>
          %swap3A_242 = arith.index_cast %add3A_214 : i32 to index
          %swap3A_243 = tpu.vector_load %arg17[%swap3A_242] masked %le3A_239 {strides = array<i32>} : memref<128xi32, #tpu.memory_space<vmem>>, vector<16xi32>, vector<16xi1>
          tpu.vector_store %arg17[%swap3A_242], %add3A_241 masked %le3A_239 {strides = array<i32>} : memref<128xi32, #tpu.memory_space<vmem>>, vector<16xi32>, vector<16xi1>
          %convert_element_type3A_244 = arith.extui %le3A_239 : vector<16xi1> to vector<16xi32>
          %reduce_sum3A_245 = arith.constant true
          %reduce_sum3A_246 = vector.broadcast %reduce_sum3A_245 : i1 to vector<16xi1>
          %reduce_sum3A_247 = tpu.scan <sum>, %convert_element_type3A_244 masked %reduce_sum3A_246 : vector<16xi32>, vector<16xi1> -> vector<16xi32>
          %reduce_sum3A_248 = vector.extract %reduce_sum3A_247[15] : i32 from vector<16xi32>
          %add3A_249 = arith.addi %add3A_214, %reduce_sum3A_248 : i32
          %add3A_250 = arith.constant 4 : i32
          %add3A_251 = arith.addi %while3A_112, %add3A_250 : i32
          scf.yield %add3A_251, %add3A_249 : i32, i32
        }
        %min3A = arith.constant 64 : i32
        %min3A_102 = arith.minsi %while3A_101#1, %min3A : i32
        %broadcast_in_dim3A_103 = vector.broadcast %min3A_102 : i32 to vector<16xi32>
        tpu.vector_store_idx %arg19[%broadcast_in_dim3A_40], %broadcast_in_dim3A_103 masked %eq3A_26 : memref<128xi32, #tpu.memory_space<vmem>>[vector<16xi32>], vector<16xi32>, vector<16xi1>
        %dma_start3A = arith.constant 0 : i32
        %dma_start3A_104 = tpu.memref_slice %arg17[%dma_start3A] : memref<128xi32, #tpu.memory_space<vmem>> -> memref<64xi32, #tpu.memory_space<vmem>>
        %dma_start3A_105 = arith.constant 0 : i32
        %dma_start3A_106 = arith.constant 0 : i32
        %dma_start3A_107 = tpu.memref_slice %arg8[%dma_start3A_105, %dma_start3A_106] : memref<10240x128xf32, #tpu.memory_space<hbm>> -> memref<10240x128xf32, #tpu.memory_space<hbm>>
        tpu.enqueue_indirect_dma source(%dma_start3A_107 : memref<10240x128xf32, #tpu.memory_space<hbm>>) target(%arg20 : memref<64x128xf32, #tpu.memory_space<vmem>>) offsets(%dma_start3A_104 : memref<64xi32, #tpu.memory_space<vmem>>) semaphore(%arg26 : memref<!tpu.dma_semaphore, #tpu.memory_space<semaphore_mem>>)
        %dma_wait3A = arith.constant 0 : i32
        %dma_wait3A_108 = tpu.memref_slice %arg17[%dma_wait3A] : memref<128xi32, #tpu.memory_space<vmem>> -> memref<64xi32, #tpu.memory_space<vmem>>
        %dma_wait3A_109 = arith.constant 0 : i32
        %dma_wait3A_110 = arith.constant 0 : i32
        %dma_wait3A_111 = tpu.memref_slice %arg8[%dma_wait3A_109, %dma_wait3A_110] : memref<10240x128xf32, #tpu.memory_space<hbm>> -> memref<10240x128xf32, #tpu.memory_space<hbm>>
        tpu.wait_indirect_dma semaphore(%arg26 : memref<!tpu.dma_semaphore, #tpu.memory_space<semaphore_mem>>) src(%dma_wait3A_111 : memref<10240x128xf32, #tpu.memory_space<hbm>>) dst(%arg20 : memref<64x128xf32, #tpu.memory_space<vmem>>)
        "tpu.region"() ({
          %run_scoped3A = tpu.sem_alloc : memref<!tpu.dma_semaphore, #tpu.memory_space<semaphore_mem>>
          %dma_start3A_112 = arith.constant 0 : i32
          %dma_start3A_113 = arith.constant 0 : i32
          %dma_start3A_114 = tpu.memref_slice %arg9[%add3A_36, %dma_start3A_112, %dma_start3A_113] : memref<2560x64x128xf32, #tpu.memory_space<hbm>> -> memref<1x64x128xf32, #tpu.memory_space<hbm>>
          %dma_start3A_115 = tpu.memref_squeeze %dma_start3A_114 : memref<1x64x128xf32, #tpu.memory_space<hbm>> -> memref<64x128xf32, #tpu.memory_space<hbm>>
          %dma_start3A_116 = arith.constant 0 : i32
          %dma_start3A_117 = arith.constant 0 : i32
          %dma_start3A_118 = tpu.memref_slice %arg9[%add3A_36, %dma_start3A_116, %dma_start3A_117] : memref<2560x64x128xf32, #tpu.memory_space<hbm>> -> memref<1x64x128xf32, #tpu.memory_space<hbm>>
          %dma_start3A_119 = tpu.memref_squeeze %dma_start3A_118 : memref<1x64x128xf32, #tpu.memory_space<hbm>> -> memref<64x128xf32, #tpu.memory_space<hbm>>
          tpu.enqueue_dma source(%arg20 : memref<64x128xf32, #tpu.memory_space<vmem>>) target(%dma_start3A_119 : memref<64x128xf32, #tpu.memory_space<hbm>>) target_semaphore(%run_scoped3A : memref<!tpu.dma_semaphore, #tpu.memory_space<semaphore_mem>>)
          %dma_wait3A_120 = arith.constant 0 : i32
          %dma_wait3A_121 = arith.constant 0 : i32
          %dma_wait3A_122 = tpu.memref_slice %arg9[%add3A_36, %dma_wait3A_120, %dma_wait3A_121] : memref<2560x64x128xf32, #tpu.memory_space<hbm>> -> memref<1x64x128xf32, #tpu.memory_space<hbm>>
          %dma_wait3A_123 = tpu.memref_squeeze %dma_wait3A_122 : memref<1x64x128xf32, #tpu.memory_space<hbm>> -> memref<64x128xf32, #tpu.memory_space<hbm>>
          %dma_wait3A_124 = arith.constant 0 : i32
          %dma_wait3A_125 = arith.constant 0 : i32
          %dma_wait3A_126 = tpu.memref_slice %arg9[%add3A_36, %dma_wait3A_124, %dma_wait3A_125] : memref<2560x64x128xf32, #tpu.memory_space<hbm>> -> memref<1x64x128xf32, #tpu.memory_space<hbm>>
          %dma_wait3A_127 = tpu.memref_squeeze %dma_wait3A_126 : memref<1x64x128xf32, #tpu.memory_space<hbm>> -> memref<64x128xf32, #tpu.memory_space<hbm>>
          tpu.wait_dma2 semaphore(%run_scoped3A : memref<!tpu.dma_semaphore, #tpu.memory_space<semaphore_mem>>) src(%arg20 : memref<64x128xf32, #tpu.memory_space<vmem>>) dst(%dma_wait3A_127 : memref<64x128xf32, #tpu.memory_space<hbm>>)
          tpu.yield
        }) : () -> ()
      } else {
      }
      %scan3A_39 = arith.constant 0 : i32
      scf.yield %scan3A_39 : i32
    }
    %scan3A_33 = arith.constant 80 : i32
    "tpu.region"() ({
      %run_scoped3A = tpu.sem_alloc : memref<!tpu.dma_semaphore, #tpu.memory_space<semaphore_mem>>
      %dma_start3A = arith.constant 0 : i32
      %dma_start3A_34 = tpu.memref_slice %arg19[%dma_start3A] : memref<128xi32, #tpu.memory_space<vmem>> -> memref<80xi32, #tpu.memory_space<vmem>>
      %dma_start3A_35 = tpu.memref_slice %arg10[%mul3A_2] : memref<2560xi32, #tpu.memory_space<hbm>> -> memref<80xi32, #tpu.memory_space<hbm>>
      %dma_start3A_36 = tpu.memref_slice %arg10[%mul3A_2] : memref<2560xi32, #tpu.memory_space<hbm>> -> memref<80xi32, #tpu.memory_space<hbm>>
      %dma_start3A_37 = arith.constant 0 : i32
      %dma_start3A_38 = tpu.memref_slice %arg19[%dma_start3A_37] : memref<128xi32, #tpu.memory_space<vmem>> -> memref<80xi32, #tpu.memory_space<vmem>>
      tpu.enqueue_dma source(%dma_start3A_38 : memref<80xi32, #tpu.memory_space<vmem>>) target(%dma_start3A_36 : memref<80xi32, #tpu.memory_space<hbm>>) target_semaphore(%run_scoped3A : memref<!tpu.dma_semaphore, #tpu.memory_space<semaphore_mem>>)
      %dma_wait3A = arith.constant 0 : i32
      %dma_wait3A_39 = tpu.memref_slice %arg19[%dma_wait3A] : memref<128xi32, #tpu.memory_space<vmem>> -> memref<80xi32, #tpu.memory_space<vmem>>
      %dma_wait3A_40 = tpu.memref_slice %arg10[%mul3A_2] : memref<2560xi32, #tpu.memory_space<hbm>> -> memref<80xi32, #tpu.memory_space<hbm>>
      %dma_wait3A_41 = tpu.memref_slice %arg10[%mul3A_2] : memref<2560xi32, #tpu.memory_space<hbm>> -> memref<80xi32, #tpu.memory_space<hbm>>
      %dma_wait3A_42 = arith.constant 0 : i32
      %dma_wait3A_43 = tpu.memref_slice %arg19[%dma_wait3A_42] : memref<128xi32, #tpu.memory_space<vmem>> -> memref<80xi32, #tpu.memory_space<vmem>>
      tpu.wait_dma2 semaphore(%run_scoped3A : memref<!tpu.dma_semaphore, #tpu.memory_space<semaphore_mem>>) src(%dma_wait3A_43 : memref<80xi32, #tpu.memory_space<vmem>>) dst(%dma_wait3A_41 : memref<80xi32, #tpu.memory_space<hbm>>)
      tpu.yield
    }) : () -> ()
    return
  }
}

module attributes {stable_mosaic.version = 14 : i64} {
  func.func @_pb_body(%arg0: memref<10240x128xf32, #tpu.memory_space<vmem>>, %arg1: memref<10240x4xf32, #tpu.memory_space<vmem>>, %arg2: memref<128x128xf32, #tpu.memory_space<vmem>>, %arg3: memref<4x128xf32, #tpu.memory_space<vmem>>, %arg4: memref<1x128xf32, #tpu.memory_space<vmem>>, %arg5: memref<2560x4xf32, #tpu.memory_space<vmem>>, %arg6: memref<10240x128xf32, #tpu.memory_space<vmem>>, %arg7: memref<2560x128xf32, #tpu.memory_space<vmem>>) attributes {dimension_semantics = [], scalar_prefetch = 0 : i64, scratch_operands = 0 : i64, tpu.core_type = #tpu.core_type<tc>} {
    %get3A = arith.constant 0 : index
    %get3A_0 = arith.constant 0 : index
    %get3A_1 = vector.load %arg0[%get3A, %get3A_0] : memref<10240x128xf32, #tpu.memory_space<vmem>>, vector<10240x128xf32>
    %get3A_2 = arith.constant 0 : index
    %get3A_3 = arith.constant 0 : index
    %get3A_4 = vector.load %arg2[%get3A_2, %get3A_3] : memref<128x128xf32, #tpu.memory_space<vmem>>, vector<128x128xf32>
    %dot_general3A = arith.constant dense<0.000000e+00> : vector<10240x128xf32>
    %dot_general3A_5 = tpu.matmul %get3A_1, %get3A_4, %dot_general3A {dimension_numbers = #tpu.dot_dimension_numbers<[1], [0], [0], [1], [0, 0, 1, 1], [], []>, transpose_lhs_hint = false} : vector<10240x128xf32>, vector<128x128xf32>, vector<10240x128xf32> -> vector<10240x128xf32>
    %get3A_6 = arith.constant 0 : index
    %get3A_7 = arith.constant 0 : index
    %get3A_8 = vector.load %arg1[%get3A_6, %get3A_7] : memref<10240x4xf32, #tpu.memory_space<vmem>>, vector<10240x4xf32>
    %get3A_9 = arith.constant 0 : index
    %get3A_10 = arith.constant 0 : index
    %get3A_11 = vector.load %arg3[%get3A_9, %get3A_10] : memref<4x128xf32, #tpu.memory_space<vmem>>, vector<4x128xf32>
    %dot_general3A_12 = arith.constant dense<0.000000e+00> : vector<10240x128xf32>
    %dot_general3A_13 = tpu.matmul %get3A_8, %get3A_11, %dot_general3A_12 {dimension_numbers = #tpu.dot_dimension_numbers<[1], [0], [0], [1], [0, 0, 1, 1], [], []>, transpose_lhs_hint = false} : vector<10240x4xf32>, vector<4x128xf32>, vector<10240x128xf32> -> vector<10240x128xf32>
    %add3A = arith.addf %dot_general3A_5, %dot_general3A_13 : vector<10240x128xf32>
    %get3A_14 = arith.constant 0 : index
    %get3A_15 = arith.constant 0 : index
    %get3A_16 = vector.load %arg4[%get3A_14, %get3A_15] : memref<1x128xf32, #tpu.memory_space<vmem>>, vector<1x128xf32>
    %add3A_17 = vector.broadcast %get3A_16 : vector<1x128xf32> to vector<10240x128xf32>
    %add3A_18 = arith.addf %add3A, %add3A_17 : vector<10240x128xf32>
    %swap3A = arith.constant 0 : index
    %swap3A_19 = arith.constant 0 : index
    %swap3A_20 = vector.load %arg6[%swap3A, %swap3A_19] : memref<10240x128xf32, #tpu.memory_space<vmem>>, vector<10240x128xf32>
    tpu.vector_store %arg6[%swap3A, %swap3A_19], %add3A_18 {strides = array<i32>} : memref<10240x128xf32, #tpu.memory_space<vmem>>, vector<10240x128xf32>,
    %get3A_21 = arith.constant 0 : index
    %get3A_22 = arith.constant 0 : index
    %get3A_23 = vector.load %arg5[%get3A_21, %get3A_22] : memref<2560x4xf32, #tpu.memory_space<vmem>>, vector<2560x4xf32>
    %get3A_24 = arith.constant 0 : index
    %get3A_25 = arith.constant 0 : index
    %get3A_26 = vector.load %arg3[%get3A_24, %get3A_25] : memref<4x128xf32, #tpu.memory_space<vmem>>, vector<4x128xf32>
    %dot_general3A_27 = arith.constant dense<0.000000e+00> : vector<2560x128xf32>
    %dot_general3A_28 = tpu.matmul %get3A_23, %get3A_26, %dot_general3A_27 {dimension_numbers = #tpu.dot_dimension_numbers<[1], [0], [0], [1], [0, 0, 1, 1], [], []>, transpose_lhs_hint = false} : vector<2560x4xf32>, vector<4x128xf32>, vector<2560x128xf32> -> vector<2560x128xf32>
    %swap3A_29 = arith.constant 0 : index
    %swap3A_30 = arith.constant 0 : index
    %swap3A_31 = vector.load %arg7[%swap3A_29, %swap3A_30] : memref<2560x128xf32, #tpu.memory_space<vmem>>, vector<2560x128xf32>
    tpu.vector_store %arg7[%swap3A_29, %swap3A_30], %dot_general3A_28 {strides = array<i32>} : memref<2560x128xf32, #tpu.memory_space<vmem>>, vector<2560x128xf32>,
    return
  }
}

module attributes {stable_mosaic.version = 14 : i64} {
  func.func @_fps_body(%arg0: memref<80x128xf32, #tpu.memory_space<vmem>>, %arg1: memref<80x128xf32, #tpu.memory_space<vmem>>, %arg2: memref<80x128xf32, #tpu.memory_space<vmem>>, %arg3: memref<10240x1xf32, #tpu.memory_space<vmem>>, %arg4: memref<10240x1xf32, #tpu.memory_space<vmem>>, %arg5: memref<10240x1xf32, #tpu.memory_space<vmem>>, %arg6: memref<2560x4xf32, #tpu.memory_space<vmem>>, %arg7: memref<2560x1xi32, #tpu.memory_space<vmem>>, %arg8: memref<80x128xf32, #tpu.memory_space<vmem>>) attributes {dimension_semantics = [], scalar_prefetch = 0 : i64, scratch_operands = 1 : i64, tpu.core_type = #tpu.core_type<tc>} {
    %iota3A = tpu.iota {dimensions = array<i32: 0>} : vector<80x128xi32>
    %mul3A = arith.constant 128 : i32
    %mul3A_0 = vector.broadcast %mul3A : i32 to vector<80x128xi32>
    %mul3A_1 = arith.muli %iota3A, %mul3A_0 : vector<80x128xi32>
    %iota3A_2 = tpu.iota {dimensions = array<i32: 1>} : vector<80x128xi32>
    %add3A = arith.addi %mul3A_1, %iota3A_2 : vector<80x128xi32>
    %convert_element_type3A = arith.sitofp %add3A : vector<80x128xi32> to vector<80x128xf32>
    %lt3A = arith.constant 10000 : i32
    %lt3A_3 = vector.broadcast %lt3A : i32 to vector<80x128xi32>
    %lt3A_4 = arith.cmpi slt, %add3A, %lt3A_3 : vector<80x128xi32>
    %jit3A = arith.constant 0x7F800000 : f32
    %jit3A_5 = arith.constant 0xFF800000 : f32
    %broadcast_in_dim3A = vector.broadcast %jit3A : f32 to vector<80x128xf32>
    %broadcast_in_dim3A_6 = vector.broadcast %jit3A_5 : f32 to vector<80x128xf32>
    %select_n3A = arith.select %lt3A_4, %broadcast_in_dim3A, %broadcast_in_dim3A_6 : vector<80x128xi1>, vector<80x128xf32>
    %swap3A = arith.constant 0 : index
    %swap3A_7 = arith.constant 0 : index
    %swap3A_8 = vector.load %arg8[%swap3A, %swap3A_7] : memref<80x128xf32, #tpu.memory_space<vmem>>, vector<80x128xf32>
    tpu.vector_store %arg8[%swap3A, %swap3A_7], %select_n3A {strides = array<i32>} : memref<80x128xf32, #tpu.memory_space<vmem>>, vector<80x128xf32>,
    %broadcast_in_dim3A_9 = arith.constant -1.000000e+09 : f32
    %broadcast_in_dim3A_10 = vector.broadcast %broadcast_in_dim3A_9 : f32 to vector<2560x4xf32>
    %swap3A_11 = arith.constant 0 : index
    %swap3A_12 = arith.constant 0 : index
    %swap3A_13 = vector.load %arg6[%swap3A_11, %swap3A_12] : memref<2560x4xf32, #tpu.memory_space<vmem>>, vector<2560x4xf32>
    tpu.vector_store %arg6[%swap3A_11, %swap3A_12], %broadcast_in_dim3A_10 {strides = array<i32>} : memref<2560x4xf32, #tpu.memory_space<vmem>>, vector<2560x4xf32>,
    %broadcast_in_dim3A_14 = arith.constant 0 : i32
    %broadcast_in_dim3A_15 = vector.broadcast %broadcast_in_dim3A_14 : i32 to vector<2560x1xi32>
    %swap3A_16 = arith.constant 0 : index
    %swap3A_17 = arith.constant 0 : index
    %swap3A_18 = vector.load %arg7[%swap3A_16, %swap3A_17] : memref<2560x1xi32, #tpu.memory_space<vmem>>, vector<2560x1xi32>
    tpu.vector_store %arg7[%swap3A_16, %swap3A_17], %broadcast_in_dim3A_15 {strides = array<i32>} : memref<2560x1xi32, #tpu.memory_space<vmem>>, vector<2560x1xi32>,
    %iota3A_19 = tpu.iota {dimensions = array<i32: 1>} : vector<1x4xi32>
    %get3A = arith.constant 0 : index
    %get3A_20 = arith.constant 0 : index
    %get3A_21 = vector.load %arg3[%get3A, %get3A_20] : memref<10240x1xf32, #tpu.memory_space<vmem>>, vector<1x1xf32>
    %get3A_22 = vector.extract %get3A_21[0, 0] : f32 from vector<1x1xf32>
    %get3A_23 = arith.constant 0 : index
    %get3A_24 = arith.constant 0 : index
    %get3A_25 = vector.load %arg4[%get3A_23, %get3A_24] : memref<10240x1xf32, #tpu.memory_space<vmem>>, vector<1x1xf32>
    %get3A_26 = vector.extract %get3A_25[0, 0] : f32 from vector<1x1xf32>
    %get3A_27 = arith.constant 0 : index
    %get3A_28 = arith.constant 0 : index
    %get3A_29 = vector.load %arg5[%get3A_27, %get3A_28] : memref<10240x1xf32, #tpu.memory_space<vmem>>, vector<1x1xf32>
    %get3A_30 = vector.extract %get3A_29[0, 0] : f32 from vector<1x1xf32>
    %eq3A = arith.constant 0 : i32
    %eq3A_31 = vector.broadcast %eq3A : i32 to vector<1x4xi32>
    %eq3A_32 = arith.cmpi eq, %iota3A_19, %eq3A_31 : vector<1x4xi32>
    %eq3A_33 = arith.constant 1 : i32
    %eq3A_34 = vector.broadcast %eq3A_33 : i32 to vector<1x4xi32>
    %eq3A_35 = arith.cmpi eq, %iota3A_19, %eq3A_34 : vector<1x4xi32>
    %eq3A_36 = arith.constant 2 : i32
    %eq3A_37 = vector.broadcast %eq3A_36 : i32 to vector<1x4xi32>
    %eq3A_38 = arith.cmpi eq, %iota3A_19, %eq3A_37 : vector<1x4xi32>
    %jit3A_39 = arith.constant 0.000000e+00 : f32
    %broadcast_in_dim3A_40 = vector.broadcast %get3A_30 : f32 to vector<1x4xf32>
    %broadcast_in_dim3A_41 = vector.broadcast %jit3A_39 : f32 to vector<1x4xf32>
    %select_n3A_42 = arith.select %eq3A_38, %broadcast_in_dim3A_40, %broadcast_in_dim3A_41 : vector<1x4xi1>, vector<1x4xf32>
    %broadcast_in_dim3A_43 = vector.broadcast %get3A_26 : f32 to vector<1x4xf32>
    %select_n3A_44 = arith.select %eq3A_35, %broadcast_in_dim3A_43, %select_n3A_42 : vector<1x4xi1>, vector<1x4xf32>
    %broadcast_in_dim3A_45 = vector.broadcast %get3A_22 : f32 to vector<1x4xf32>
    %select_n3A_46 = arith.select %eq3A_32, %broadcast_in_dim3A_45, %select_n3A_44 : vector<1x4xi1>, vector<1x4xf32>
    %swap3A_47 = arith.constant 0 : index
    %swap3A_48 = arith.constant 0 : index
    %swap3A_49 = vector.load %arg6[%swap3A_47, %swap3A_48] : memref<2560x4xf32, #tpu.memory_space<vmem>>, vector<1x4xf32>
    tpu.vector_store %arg6[%swap3A_47, %swap3A_48], %select_n3A_46 {strides = array<i32>} : memref<2560x4xf32, #tpu.memory_space<vmem>>, vector<1x4xf32>,
    %broadcast_in_dim3A_50 = arith.constant 0 : i32
    %broadcast_in_dim3A_51 = vector.broadcast %broadcast_in_dim3A_50 : i32 to vector<1x1xi32>
    %swap3A_52 = arith.constant 0 : index
    %swap3A_53 = arith.constant 0 : index
    %swap3A_54 = vector.load %arg7[%swap3A_52, %swap3A_53] : memref<2560x1xi32, #tpu.memory_space<vmem>>, vector<1x1xi32>
    tpu.vector_store %arg7[%swap3A_52, %swap3A_53], %broadcast_in_dim3A_51 {strides = array<i32>} : memref<2560x1xi32, #tpu.memory_space<vmem>>, vector<1x1xi32>,
    %scan3A = arith.constant 1 : i32
    %scan3A_55 = arith.constant 2499 : i32
    %scan3A_56 = arith.addi %scan3A, %scan3A_55 : i32
    %scan3A_57 = arith.constant 1 : i32
    %scan3A_58:3 = scf.for %scan3A_60 = %scan3A to %scan3A_56 step %scan3A_57 iter_args(%scan3A_61 = %get3A_22, %scan3A_62 = %get3A_26, %scan3A_63 = %get3A_30) -> (f32, f32, f32)  : i32 {
      %get3A_64 = arith.constant 0 : index
      %get3A_65 = arith.constant 0 : index
      %get3A_66 = vector.load %arg0[%get3A_64, %get3A_65] : memref<80x128xf32, #tpu.memory_space<vmem>>, vector<80x128xf32>
      %sub3A = vector.broadcast %scan3A_61 : f32 to vector<80x128xf32>
      %sub3A_67 = arith.subf %get3A_66, %sub3A : vector<80x128xf32>
      %get3A_68 = arith.constant 0 : index
      %get3A_69 = arith.constant 0 : index
      %get3A_70 = vector.load %arg1[%get3A_68, %get3A_69] : memref<80x128xf32, #tpu.memory_space<vmem>>, vector<80x128xf32>
      %sub3A_71 = vector.broadcast %scan3A_62 : f32 to vector<80x128xf32>
      %sub3A_72 = arith.subf %get3A_70, %sub3A_71 : vector<80x128xf32>
      %get3A_73 = arith.constant 0 : index
      %get3A_74 = arith.constant 0 : index
      %get3A_75 = vector.load %arg2[%get3A_73, %get3A_74] : memref<80x128xf32, #tpu.memory_space<vmem>>, vector<80x128xf32>
      %sub3A_76 = vector.broadcast %scan3A_63 : f32 to vector<80x128xf32>
      %sub3A_77 = arith.subf %get3A_75, %sub3A_76 : vector<80x128xf32>
      %mul3A_78 = arith.mulf %sub3A_67, %sub3A_67 : vector<80x128xf32>
      %mul3A_79 = arith.mulf %sub3A_72, %sub3A_72 : vector<80x128xf32>
      %add3A_80 = arith.addf %mul3A_78, %mul3A_79 : vector<80x128xf32>
      %mul3A_81 = arith.mulf %sub3A_77, %sub3A_77 : vector<80x128xf32>
      %add3A_82 = arith.addf %add3A_80, %mul3A_81 : vector<80x128xf32>
      %get3A_83 = arith.constant 0 : index
      %get3A_84 = arith.constant 0 : index
      %get3A_85 = vector.load %arg8[%get3A_83, %get3A_84] : memref<80x128xf32, #tpu.memory_space<vmem>>, vector<80x128xf32>
      %min3A = arith.minimumf %get3A_85, %add3A_82 : vector<80x128xf32>
      %swap3A_86 = arith.constant 0 : index
      %swap3A_87 = arith.constant 0 : index
      %swap3A_88 = vector.load %arg8[%swap3A_86, %swap3A_87] : memref<80x128xf32, #tpu.memory_space<vmem>>, vector<80x128xf32>
      tpu.vector_store %arg8[%swap3A_86, %swap3A_87], %min3A {strides = array<i32>} : memref<80x128xf32, #tpu.memory_space<vmem>>, vector<80x128xf32>,
      %reduce_max3A = vector.shape_cast %min3A : vector<80x128xf32> to vector<1x80x128xf32>
      %reduce_max3A_89 = arith.constant dense<0xFF800000> : vector<1xf32>
      %reduce_max3A_90 = vector.multi_reduction <maximumf>, %reduce_max3A, %reduce_max3A_89 [1, 2] : vector<1x80x128xf32> to vector<1xf32>
      %reduce_max3A_91 = vector.shape_cast %reduce_max3A_90 : vector<1xf32> to vector<1x1x1xf32>
      %reduce_max3A_92 = vector.extract %reduce_max3A_91[0, 0, 0] : f32 from vector<1x1x1xf32>
      %eq3A_93 = vector.broadcast %reduce_max3A_92 : f32 to vector<80x128xf32>
      %eq3A_94 = arith.cmpf oeq, %min3A, %eq3A_93 : vector<80x128xf32>
      %jit3A_95 = arith.constant 3.000000e+38 : f32
      %broadcast_in_dim3A_96 = vector.broadcast %jit3A_95 : f32 to vector<80x128xf32>
      %select_n3A_97 = arith.select %eq3A_94, %convert_element_type3A, %broadcast_in_dim3A_96 : vector<80x128xi1>, vector<80x128xf32>
      %reduce_min3A = vector.shape_cast %select_n3A_97 : vector<80x128xf32> to vector<1x80x128xf32>
      %reduce_min3A_98 = arith.constant dense<0x7F800000> : vector<1xf32>
      %reduce_min3A_99 = vector.multi_reduction <minimumf>, %reduce_min3A, %reduce_min3A_98 [1, 2] : vector<1x80x128xf32> to vector<1xf32>
      %reduce_min3A_100 = vector.shape_cast %reduce_min3A_99 : vector<1xf32> to vector<1x1x1xf32>
      %reduce_min3A_101 = vector.extract %reduce_min3A_100[0, 0, 0] : f32 from vector<1x1x1xf32>
      %convert_element_type3A_102 = arith.fptosi %reduce_min3A_101 : f32 to i32
      %get3A_103 = arith.index_cast %convert_element_type3A_102 : i32 to index
      %get3A_104 = arith.constant 0 : index
      %get3A_105 = vector.load %arg3[%get3A_103, %get3A_104] : memref<10240x1xf32, #tpu.memory_space<vmem>>, vector<1x1xf32>
      %get3A_106 = vector.extract %get3A_105[0, 0] : f32 from vector<1x1xf32>
      %get3A_107 = arith.index_cast %convert_element_type3A_102 : i32 to index
      %get3A_108 = arith.constant 0 : index
      %get3A_109 = vector.load %arg4[%get3A_107, %get3A_108] : memref<10240x1xf32, #tpu.memory_space<vmem>>, vector<1x1xf32>
      %get3A_110 = vector.extract %get3A_109[0, 0] : f32 from vector<1x1xf32>
      %get3A_111 = arith.index_cast %convert_element_type3A_102 : i32 to index
      %get3A_112 = arith.constant 0 : index
      %get3A_113 = vector.load %arg5[%get3A_111, %get3A_112] : memref<10240x1xf32, #tpu.memory_space<vmem>>, vector<1x1xf32>
      %get3A_114 = vector.extract %get3A_113[0, 0] : f32 from vector<1x1xf32>
      %eq3A_115 = arith.constant 0 : i32
      %eq3A_116 = vector.broadcast %eq3A_115 : i32 to vector<1x4xi32>
      %eq3A_117 = arith.cmpi eq, %iota3A_19, %eq3A_116 : vector<1x4xi32>
      %eq3A_118 = arith.constant 1 : i32
      %eq3A_119 = vector.broadcast %eq3A_118 : i32 to vector<1x4xi32>
      %eq3A_120 = arith.cmpi eq, %iota3A_19, %eq3A_119 : vector<1x4xi32>
      %eq3A_121 = arith.constant 2 : i32
      %eq3A_122 = vector.broadcast %eq3A_121 : i32 to vector<1x4xi32>
      %eq3A_123 = arith.cmpi eq, %iota3A_19, %eq3A_122 : vector<1x4xi32>
      %jit3A_124 = arith.constant 0.000000e+00 : f32
      %broadcast_in_dim3A_125 = vector.broadcast %get3A_114 : f32 to vector<1x4xf32>
      %broadcast_in_dim3A_126 = vector.broadcast %jit3A_124 : f32 to vector<1x4xf32>
      %select_n3A_127 = arith.select %eq3A_123, %broadcast_in_dim3A_125, %broadcast_in_dim3A_126 : vector<1x4xi1>, vector<1x4xf32>
      %broadcast_in_dim3A_128 = vector.broadcast %get3A_110 : f32 to vector<1x4xf32>
      %select_n3A_129 = arith.select %eq3A_120, %broadcast_in_dim3A_128, %select_n3A_127 : vector<1x4xi1>, vector<1x4xf32>
      %broadcast_in_dim3A_130 = vector.broadcast %get3A_106 : f32 to vector<1x4xf32>
      %select_n3A_131 = arith.select %eq3A_117, %broadcast_in_dim3A_130, %select_n3A_129 : vector<1x4xi1>, vector<1x4xf32>
      %swap3A_132 = arith.index_cast %scan3A_60 : i32 to index
      %swap3A_133 = arith.constant 0 : index
      %swap3A_134 = vector.load %arg6[%swap3A_132, %swap3A_133] : memref<2560x4xf32, #tpu.memory_space<vmem>>, vector<1x4xf32>
      tpu.vector_store %arg6[%swap3A_132, %swap3A_133], %select_n3A_131 {strides = array<i32>} : memref<2560x4xf32, #tpu.memory_space<vmem>>, vector<1x4xf32>,
      %broadcast_in_dim3A_135 = vector.broadcast %convert_element_type3A_102 : i32 to vector<1x1xi32>
      %swap3A_136 = arith.index_cast %scan3A_60 : i32 to index
      %swap3A_137 = arith.constant 0 : index
      %swap3A_138 = vector.load %arg7[%swap3A_136, %swap3A_137] : memref<2560x1xi32, #tpu.memory_space<vmem>>, vector<1x1xi32>
      tpu.vector_store %arg7[%swap3A_136, %swap3A_137], %broadcast_in_dim3A_135 {strides = array<i32>} : memref<2560x1xi32, #tpu.memory_space<vmem>>, vector<1x1xi32>,
      scf.yield %get3A_106, %get3A_110, %get3A_114 : f32, f32, f32
    }
    %scan3A_59 = arith.constant 2499 : i32
    return
  }
}

module attributes {stable_mosaic.version = 14 : i64} {
  func.func @_mlp_body(%arg0: i32, %arg1: memref<128x64x128xf32, #tpu.memory_space<vmem>>, %arg2: memref<128x128xf32, #tpu.memory_space<vmem>>, %arg3: memref<128x1xi32, #tpu.memory_space<vmem>>, %arg4: memref<128x128xf32, #tpu.memory_space<vmem>>, %arg5: memref<1x128xf32, #tpu.memory_space<vmem>>, %arg6: memref<128x128xf32, #tpu.memory_space<vmem>>) attributes {dimension_semantics = [#tpu.dimension_semantics<arbitrary>], iteration_bounds = array<i64: 20>, scalar_prefetch = 0 : i64, scratch_operands = 0 : i64, tpu.core_type = #tpu.core_type<tc>, window_params = [{transform_indices = @transform_0, window_bounds = array<i64: 128, 64, 128>}, {transform_indices = @transform_1, window_bounds = array<i64: 128, 128>}, {transform_indices = @transform_2, window_bounds = array<i64: 128, 1>}, {pipeline_mode = #tpu.pipeline_mode<synchronous>, transform_indices = @transform_3, window_bounds = array<i64: 128, 128>}, {pipeline_mode = #tpu.pipeline_mode<synchronous>, transform_indices = @transform_4, window_bounds = array<i64: 1, 128>}, {transform_indices = @transform_5, window_bounds = array<i64: 128, 128>}]} {
    %get3A = arith.constant 0 : index
    %get3A_0 = arith.constant 0 : index
    %get3A_1 = arith.constant 0 : index
    %get3A_2 = vector.load %arg1[%get3A, %get3A_0, %get3A_1] : memref<128x64x128xf32, #tpu.memory_space<vmem>>, vector<128x64x128xf32>
    %get3A_3 = arith.constant 0 : index
    %get3A_4 = arith.constant 0 : index
    %get3A_5 = vector.load %arg2[%get3A_3, %get3A_4] : memref<128x128xf32, #tpu.memory_space<vmem>>, vector<128x128xf32>
    %broadcast_in_dim3A = vector.shape_cast %get3A_5 : vector<128x128xf32> to vector<128x1x128xf32>
    %sub3A = vector.broadcast %broadcast_in_dim3A : vector<128x1x128xf32> to vector<128x64x128xf32>
    %sub3A_6 = arith.subf %get3A_2, %sub3A : vector<128x64x128xf32>
    %max3A = arith.constant 0.000000e+00 : f32
    %max3A_7 = vector.broadcast %max3A : f32 to vector<128x64x128xf32>
    %max3A_8 = arith.maximumf %sub3A_6, %max3A_7 : vector<128x64x128xf32>
    %reshape3A = vector.shape_cast %max3A_8 : vector<128x64x128xf32> to vector<8192x128xf32>
    %get3A_9 = arith.constant 0 : index
    %get3A_10 = arith.constant 0 : index
    %get3A_11 = vector.load %arg4[%get3A_9, %get3A_10] : memref<128x128xf32, #tpu.memory_space<vmem>>, vector<128x128xf32>
    %dot_general3A = arith.constant dense<0.000000e+00> : vector<8192x128xf32>
    %dot_general3A_12 = tpu.matmul %reshape3A, %get3A_11, %dot_general3A {dimension_numbers = #tpu.dot_dimension_numbers<[1], [0], [0], [1], [0, 0, 1, 1], [], []>, transpose_lhs_hint = false} : vector<8192x128xf32>, vector<128x128xf32>, vector<8192x128xf32> -> vector<8192x128xf32>
    %get3A_13 = arith.constant 0 : index
    %get3A_14 = arith.constant 0 : index
    %get3A_15 = vector.load %arg5[%get3A_13, %get3A_14] : memref<1x128xf32, #tpu.memory_space<vmem>>, vector<1x128xf32>
    %add3A = vector.broadcast %get3A_15 : vector<1x128xf32> to vector<8192x128xf32>
    %add3A_16 = arith.addf %dot_general3A_12, %add3A : vector<8192x128xf32>
    %max3A_17 = arith.constant 0.000000e+00 : f32
    %max3A_18 = vector.broadcast %max3A_17 : f32 to vector<8192x128xf32>
    %max3A_19 = arith.maximumf %add3A_16, %max3A_18 : vector<8192x128xf32>
    %reshape3A_20 = vector.shape_cast %max3A_19 : vector<8192x128xf32> to vector<128x64x128xf32>
    %get3A_21 = arith.constant 0 : index
    %get3A_22 = arith.constant 0 : index
    %get3A_23 = vector.load %arg3[%get3A_21, %get3A_22] : memref<128x1xi32, #tpu.memory_space<vmem>>, vector<128x1xi32>
    %iota3A = tpu.iota {dimensions = array<i32: 1>} : vector<128x64x128xi32>
    %broadcast_in_dim3A_24 = vector.shape_cast %get3A_23 : vector<128x1xi32> to vector<128x1x1xi32>
    %lt3A = vector.broadcast %broadcast_in_dim3A_24 : vector<128x1x1xi32> to vector<128x64x128xi32>
    %lt3A_25 = arith.cmpi slt, %iota3A, %lt3A : vector<128x64x128xi32>
    %jit3A = arith.constant -3.40282347E+38 : f32
    %broadcast_in_dim3A_26 = vector.broadcast %jit3A : f32 to vector<128x64x128xf32>
    %select_n3A = arith.select %lt3A_25, %reshape3A_20, %broadcast_in_dim3A_26 : vector<128x64x128xi1>, vector<128x64x128xf32>
    %reduce_max3A = arith.constant dense<0xFF800000> : vector<128x128xf32>
    %reduce_max3A_27 = vector.multi_reduction <maximumf>, %select_n3A, %reduce_max3A [1] : vector<128x64x128xf32> to vector<128x128xf32>
    %gt3A = arith.constant 0 : i32
    %gt3A_28 = vector.broadcast %gt3A : i32 to vector<128x1xi32>
    %gt3A_29 = arith.cmpi sgt, %get3A_23, %gt3A_28 : vector<128x1xi32>
    %jit3A_30 = arith.constant 0.000000e+00 : f32
    %broadcast_in_dim3A_31 = vector.shape_cast %gt3A_29 : vector<128x1xi1> to vector<128x1xi1>
    %broadcast_in_dim3A_32 = vector.broadcast %broadcast_in_dim3A_31 : vector<128x1xi1> to vector<128x128xi1>
    %broadcast_in_dim3A_33 = vector.broadcast %jit3A_30 : f32 to vector<128x128xf32>
    %select_n3A_34 = arith.select %broadcast_in_dim3A_32, %reduce_max3A_27, %broadcast_in_dim3A_33 : vector<128x128xi1>, vector<128x128xf32>
    %swap3A = arith.constant 0 : index
    %swap3A_35 = arith.constant 0 : index
    %swap3A_36 = vector.load %arg6[%swap3A, %swap3A_35] : memref<128x128xf32, #tpu.memory_space<vmem>>, vector<128x128xf32>
    tpu.vector_store %arg6[%swap3A, %swap3A_35], %select_n3A_34 {strides = array<i32>} : memref<128x128xf32, #tpu.memory_space<vmem>>, vector<128x128xf32>,
    return
  }
  func.func @transform_0(%arg0: i32) -> (i32, i32, i32) {
    %c0_i32 = arith.constant 0 : i32
    %c0_i32_0 = arith.constant 0 : i32
    %c0_i32_1 = arith.constant 0 : i32
    return %arg0, %c0_i32, %c0_i32_0 : i32, i32, i32
  }
  func.func @transform_1(%arg0: i32) -> (i32, i32) {
    %c0_i32 = arith.constant 0 : i32
    %c0_i32_0 = arith.constant 0 : i32
    return %arg0, %c0_i32 : i32, i32
  }
  func.func @transform_2(%arg0: i32) -> (i32, i32) {
    %c0_i32 = arith.constant 0 : i32
    %c0_i32_0 = arith.constant 0 : i32
    return %arg0, %c0_i32 : i32, i32
  }
  func.func @transform_3(%arg0: i32) -> (i32, i32) {
    %c0_i32 = arith.constant 0 : i32
    %c0_i32_0 = arith.constant 0 : i32
    %c0_i32_1 = arith.constant 0 : i32
    return %c0_i32, %c0_i32_0 : i32, i32
  }
  func.func @transform_4(%arg0: i32) -> (i32, i32) {
    %c0_i32 = arith.constant 0 : i32
    %c0_i32_0 = arith.constant 0 : i32
    %c0_i32_1 = arith.constant 0 : i32
    return %c0_i32, %c0_i32_0 : i32, i32
  }
  func.func @transform_5(%arg0: i32) -> (i32, i32) {
    %c0_i32 = arith.constant 0 : i32
    %c0_i32_0 = arith.constant 0 : i32
    return %arg0, %c0_i32 : i32, i32
  }
}

</mosaic_0001>

<sc_bundles>
// kernel: kernel.6.cloned.1.call-start
scs
__scs_entry_jumppad:
0x0: {  	(pc) =	sbr.rel $0x88, $3  }
0x1: {  	(tag) =	ssettag $0x0;
	lr =	simm.s32 $0x1  }
0x2: {  	[smem:$0x3F9A] =	sst lr;
	_ =	strace $0xD0000000  }
0x3: {  	_ = 	snop  }
0x4: {  	_ = 	snop  }
0x5: {  	_ = 	snop  }
0x6: {  	_ = 	snop  }
0x7: {  	_ = 	snop  }
__scs_overlays_trampoline_lowered:
0x8: {  	[smem:$0x3FA9] =	sst s0  }
0x9: {  	[smem:$0x3FAA] =	sst s1  }
0xa: {  	[smem:$0x3FAB] =	sst s2  }
0xb: {  	[smem:$0x3FAC] =	sst s3  }
0xc: {  	[smem:$0x3FAD] =	sst s4  }
0xd: {  	[smem:$0x3FAE] =	sst s5  }
0xe: {  	[smem:$0x3FAF] =	sst s6  }
0xf: {  	[smem:$0x3FB0] =	sst s7  }
0x10: {  	[smem:$0x3FB1] =	sst s8  }
0x11: {  	[smem:$0x3FB2] =	sst s9;
	s0 =	simm.s32 @!p0 $0x0  }
0x12: {  	s1 =	sld [smem:$0x3F98];
	s0 =	simm.s32 @p0 $0x1  }
0x13: {  	[smem:$0x3FB3] =	sst s0;
	s0 =	simm.s32 @!p1 $0x0  }
0x14: {  	s2 =	sld [smem:$0x3F97];
	s0 =	simm.s32 @p1 $0x1  }
0x15: {  	[smem:$0x3FB4] =	sst s0;
	s0 =	simm.s32 @!p2 $0x0  }
0x16: {  	s3 =	sld [smem:$0x3FDB];
	s0 =	simm.s32 @p2 $0x1  }
0x17: {  	s4 =	simm.s32 $0x1BF5;
	[smem:$0x3FB6] =	sst s0  }
0x18: {  	s0 =	sld [smem:$0x3F99];
	_ =	swait.ge [sflag:s4], $0x0  }
0x19: {  	s7 =	sld [smem:$0x3F9A]  }
0x1a: {  	s8 =	sadd.s32 $0xFFFFE003, lr  }
0x1b: {  	s9 =	sadd.s32 $0xFFFFFEF7, lr;
	s5 =	simm.s32 $0xFFFFFFFF;
	p2 =	slt.u32 s8, $0xFFFFF086  }
0x1c: {  	p1 =	slt.u32 s9, $0xF7A;
	s5 =	simm.s32 @!p2 $0x0  }
0x1d: {  	s5 =	simm.s32 @p1 $0x1;
	p0 =	seq.s32 s7, s2  }
0x1e: {  	s7 =	smul.u32 @!p0 $0xF7A, s2;
	p2 =	seq.s32 @!p0 s5, $0x0  }
0x1f: {  	s9 =	smul.u32 $0xF7A, s1;
	s8 =	simm.s32 @!p0 $0x1BF5;
	p2 =	por !p2, p0  }
0x20: {  	[sflag:s8] =	ssyncset.s32 @!p0 $0xFFFFF086;
	s6 =	sadd.s32 @!p0 s3, s7;
	s7 =	simm.s32 @!p0 $0x108  }
0x21: {  	s3 =	sadd.s32 s3, s9;
	s6 =	sadd.s32 @!p0 $0x88, s6;
	s7 =	simm.s32 @p2 $0x1082  }
0x22: {  	[simem:s7], [sflag:s8] =	dma.local @!p0 [hbm:s6], $0xF7A  }
0x23: {  	s9 =	sor.u32 $0xD0000000, s2;
	s6 =	simm.s32 $0x108;
	_ =	swait.ge @!p0 [sflag:s8], $0x0  }
0x24: {  	s3 =	sadd.s32 $0x88, s3;
	s6 =	simm.s32 @!p1 $0x1082;
	[sflag:s4] =	ssyncset.s32 $0xFFFFF086  }
0x25: {  	[simem:s6], [sflag:s4] =	dma.local [hbm:s3], $0xF7A  }
0x26: {  	[smem:$0x3F9A] =	sst s1;
	(tag) =	ssettag s2;
	_ =	strace s9  }
0x27: {  	s1 =	sld [smem:$0x3FAA]  }
0x28: {  	s2 =	sld [smem:$0x3FAB]  }
0x29: {  	s4 =	sld [smem:$0x3FAD]  }
0x2a: {  	p0 =	seq.s32 s5, $0x0;
	s5 =	sld [smem:$0x3FAE]  }
0x2b: {  	s6 =	sld [smem:$0x3FAF]  }
0x2c: {  	s7 =	sld [smem:$0x3FB0]  }
0x2d: {  	s3 =	simm.s32 $0x108;
	s8 =	sld [smem:$0x3FB1]  }
0x2e: {  	s3 =	simm.s32 @!p0 $0x1082;
	s9 =	sld [smem:$0x3FB2]  }
0x2f: {  	lr =	sadd.s32 s0, s3;
	s0 =	sld [smem:$0x3FA9]  }
0x30: {  	s3 =	sld [smem:$0x3FAC]  }
0x31: {  	[smem:$0x3FB5] =	sst s10  }
0x32: {  	s10 =	sld [smem:$0x3FB3];
	_ =	sdelay $0x3  }
0x33: {  	p0 =	seq.s32 s10, $0x1;
	s10 =	sld [smem:$0x3FB5];
	_ =	sdelay $0x3  }
0x34: {  	[smem:$0x3FB5] =	sst s10  }
0x35: {  	s10 =	sld [smem:$0x3FB4];
	_ =	sdelay $0x3  }
0x36: {  	p1 =	seq.s32 s10, $0x1;
	s10 =	sld [smem:$0x3FB5];
	_ =	sdelay $0x3  }
0x37: {  	[smem:$0x3FB5] =	sst s10  }
0x38: {  	s10 =	sld [smem:$0x3FB6]  }
0x39: {  	_ = 	snop;
	(pc) =	sbr.ind lr, $3  }
0x3a: {  	_ = 	snop  }
0x3b: {  	_ = 	snop  }
0x3c: {  	p2 =	seq.s32 s10, $0x1;
	s10 =	sld [smem:$0x3FB5]  }
0x3d: {  	_ =	shalt  }
0x3e: {  	_ =	shalt  }
0x3f: {  	_ =	shalt  }
0x40: {  	_ =	shalt  }
0x41: {  	_ =	shalt  }
0x42: {  	_ =	shalt  }
0x43: {  	_ =	shalt  }
0x44: {  	_ =	shalt  }
0x45: {  	_ =	shalt  }
0x46: {  	_ =	shalt  }
0x47: {  	_ =	shalt  }
0x48: {  	_ =	shalt  }
0x49: {  	_ =	shalt  }
0x4a: {  	_ =	shalt  }
0x4b: {  	_ =	shalt  }
0x4c: {  	_ =	shalt  }
0x4d: {  	_ =	shalt  }
0x4e: {  	_ =	shalt  }
0x4f: {  	_ =	shalt  }
0x50: {  	_ =	shalt  }
0x51: {  	_ =	shalt  }
0x52: {  	_ =	shalt  }
0x53: {  	_ =	shalt  }
0x54: {  	_ =	shalt  }
0x55: {  	_ =	shalt  }
0x56: {  	_ =	shalt  }
0x57: {  	_ =	shalt  }
0x58: {  	_ =	shalt  }
0x59: {  	_ =	shalt  }
0x5a: {  	_ =	shalt  }
0x5b: {  	_ =	shalt  }
0x5c: {  	_ =	shalt  }
0x5d: {  	_ =	shalt  }
0x5e: {  	_ =	shalt  }
0x5f: {  	_ =	shalt  }
0x60: {  	_ =	shalt  }
0x61: {  	_ =	shalt  }
0x62: {  	_ =	shalt  }
0x63: {  	_ =	shalt  }
0x64: {  	_ =	shalt  }
0x65: {  	_ =	shalt  }
0x66: {  	_ =	shalt  }
0x67: {  	_ =	shalt  }
0x68: {  	_ =	shalt  }
0x69: {  	_ =	shalt  }
0x6a: {  	_ =	shalt  }
0x6b: {  	_ =	shalt  }
0x6c: {  	_ =	shalt  }
0x6d: {  	_ =	shalt  }
0x6e: {  	_ =	shalt  }
0x6f: {  	_ =	shalt  }
0x70: {  	_ =	shalt  }
0x71: {  	_ =	shalt  }
0x72: {  	_ =	shalt  }
0x73: {  	_ =	shalt  }
0x74: {  	_ =	shalt  }
0x75: {  	_ =	shalt  }
0x76: {  	_ =	shalt  }
0x77: {  	_ =	shalt  }
0x78: {  	_ =	shalt  }
0x79: {  	_ =	shalt  }
0x7a: {  	_ =	shalt  }
0x7b: {  	_ =	shalt  }
0x7c: {  	_ =	shalt  }
0x7d: {  	_ =	shalt  }
0x7e: {  	_ =	shalt  }
0x7f: {  	_ =	shalt  }
0x80: {  	_ =	shalt  }
0x81: {  	_ =	shalt  }
0x82: {  	_ =	shalt  }
0x83: {  	_ =	shalt  }
0x84: {  	_ =	shalt  }
0x85: {  	_ =	shalt  }
0x86: {  	_ =	shalt  }
0x87: {  	_ =	shalt  }
.Lfunc_end0:
.L_simem_size_0:
called_computation_lowered:
.L_overlay_start_0:
0x88: {  	s2 =	sld [smem:$0x3FD9]  }
0x89: {  	s3 =	sld [smem:$0x3FFE];
	_ =	sdelay $0x1  }
0x8a: {  	s1 =	srdreg.scid  }
0x8b: {  	s0 =	sand.u32 $0x1, s1  }
0x8c: {  	s14 =	sshll.u32 s0, $0xA;
	s2 =	sadd.s32 s3, s2  }
0x8d: {  	s2 =	sadd.s32 s2, s14  }
0x8e: {  	[smem:$0x3FC1] =	sst s2  }
0x8f: {  	_ = 	snop  }
0x90: {  	s2 =	sld [smem:$0x3FD0];
	_ =	sdelay $0x2  }
0x91: {  	s15 =	simm.s32 $0xA;
	s4 =	simm.s32 $0x10  }
0x92: {  	[smem:s4], [sflag:s15] =	dma.local [hbm:s2], $0x1  }
0x93: {  	_ =	swait.eq [sflag:s15], $0x1  }
0x94: {  	[sflag:s15] =	ssyncset.done $0x0  }
0x95: {  	[sflag:s15] =	ssyncadd.s32 $0xFFFFFFFF  }
0x96: {  	s16 =	sld [smem:$0x10];
	(tm) =	ssettm $0x1  }
0x97: {  	s17 =	sld [smem:$0x3FFB];
	_ =	sdelay $0x3  }
0x98: {  	_ =	strace s17  }
0x99: {  	s3 =	sld [smem:$0x3FFC];
	_ =	sdelay $0x3  }
0x9a: {  	_ =	strace s3  }
0x9b: {  	s3 =	sld [smem:$0x3FFD];
	_ =	sdelay $0x3  }
0x9c: {  	_ =	strace s3  }
0x9d: {  	_ =	strace $0x8FFFFFFF  }
0x9e: {  	s18 =	sld [smem:$0x3FDB];
	_ =	sdelay $0x1  }
0x9f: {  	s19 =	simm.s32 $_scs_section_size  }
0xa0: {  	s5 =	simm.s32 $_size__tile_overlayer_lowered;
	s6 =	simm.s32 $_tile_overlayer_lowered  }
0xa1: {  	s22 =	simm.s32 $0x1BFF;
	s21 =	sshll.u32 s6, $0x1;
	s3 =	sadd.s32 s19, s18  }
0xa2: {  	s7 =	simm.s32 $0x0;
	s20 =	sshll.u32 s5, $0x1;
	s5 =	sadd.s32 s21, s3  }
0xa3: {  	[timem:s7], [sflag:s22] =	dma.local [hbm:s5], s20  }
0xa4: {  	_ =	swait.ge [sflag:s22], s20  }
0xa5: {  	s4 =	ssub.s32 $0x0, s20;
	[sflag:s22] =	ssyncset.done $0x0  }
0xa6: {  	[sflag:s22] =	ssyncadd.s32 s4;
	_ =	sdelay $0x1  }
0xa7: {  	s23 =	simm.s32 $0x1B8B  }
0xa8: {  	_ =	swait.ge [sflag:s23], $0x1  }
0xa9: {  	[sflag:s23] =	ssyncset.done $0x0  }
0xaa: {  	s25 =	simm.s32 $0x1B8E;
	s24 =	sld [smem:$0x3FFE];
	[sflag:s23] =	ssyncadd.s32 $0xFFFFFFFF  }
0xab: {  	s26 =	simm.s32 $execute0_lowered;
	[smem:$0x3FD2] =	sst s25  }
0xac: {  	s5 =	sshll.u32 s26, $0x1;
	_ =	strace $0x80000046;
	[dreg:$0x1] =	wrdreg $0xFFFFFFFF  }
0xad: {  	s28 =	simm.s32 $_size_execute0_lowered;
	s3 =	sadd.s32 s3, s5;
	[dreg:$0x0] =	wrdreg $0x0  }
0xae: {  	s5 =	sshll.u32 s28, $0x1;
	[dreg:$0x2] =	wrdreg s3  }
0xaf: {  	[dreg:$0x3] =	wrdreg s5  }
0xb0: {  	[dreg:$0x4] =	wrdreg $0xC0  }
0xb1: {  	_ =	task [dreg:s7], $0x5FFFF  }
0xb2: {  	[dreg:$0x1] =	wrdreg $0xFFFFFFFF  }
0xb3: {  	[dreg:$0x0] =	wrdreg $0x60  }
0xb4: {  	[dreg:$0x2] =	wrdreg s16  }
0xb5: {  	[dreg:$0x3] =	wrdreg s24  }
0xb6: {  	[dreg:$0x4] =	wrdreg $0x9  }
0xb7: {  	_ =	task.clear_ibuf [dreg:s7], $0x5FFFF;
	_ =	strace $0x90000046  }
0xb8: {  	s29 =	simm.s32 $0x9;
	_ =	strace $0x80000048  }
0xb9: {  	_ =	swait.ge [sflag:s29], $0x1  }
0xba: {  	[sflag:s29] =	ssyncadd.s32 $0xFFFFFFFF  }
0xbb: {  	_ =	strace $0x90000048  }
0xbc: {  	_ =	sfence  }
0xbd: {  	s30 =	sld [smem:$0x0];
	_ =	sdelay $0x2  }
0xbe: {  	s31 =	sshll.u32 s1, $0xD;
	s1 =	sshrl.u32 s1, $0x2  }
0xbf: {  	s3 =	sand.u32 $0x4000, s31;
	s1 =	sadd.s32 s1, s30  }
0xc0: {  	s0 =	sor.u32 s3, s0;
	s1 =	sshll.u32 s1, $0x11  }
0xc1: {  	s0 =	sor.u32 s1, s0  }
0xc2: {  	s0 =	sadd.s32 $0x8F2B, s0  }
0xc3: {  	[sflag:s0] =	ssyncadd.remote.s32 $0x1  }
0xc4: {  	_ =	sfence.sel $0xFFFF  }
0xc5: {  	[dreg:$0x0] =	wrdreg $0xFFFFFFFF;
	(pc) =	sbr.abs _section_cstart, $3  }
0xc6: {  	[dreg:$0x1] =	wrdreg $0xFFFFFFFF  }
0xc7: {  	_ =	task.clear_ibuf [dreg:s7], $0x2FFFF;
	_ =	strace $0x9FFFFFFF  }
0xc8: {  	(tm) =	ssettm $0x7FFFFFFF  }
0xc9: {  	_ =	shalt  }
tec
execute0_lowered:
.L_overlay_start_1:
0x0: {  	(tag) =	ssettag $0x1  }
0x1: {  	s0 =	srdreg.scid  }
0x2: {  	s2 =	stileid.u32;
	s1 =	rddreg [dreg:$0x1]  }
0x3: {  	s3 =	simm.s32 $0x0;
	s14 =	simm.s32 $0x2;
	s17 =	simm.s32 $0x7800  }
0x4: {  	s18 =	simm.s32 $0x7880;
	s19 =	simm.s32 $0x7900;
	s20 =	simm.s32 $0x7A00  }
0x5: {  	s21 =	simm.s32 $0x40;
	s22 =	simm.s32 $0x7980;
	s23 =	simm.s32 $0x7A80  }
0x6: {  	s24 =	simm.s32 $0x1;
	s0 =	sand.u32 $0x1, s0;
	s2 =	sshll.u32 s2, $0x1  }
0x7: {  	s25 =	simm.s32 $0x0;
	[smem:$0x7FF] =	sst s3;
	s2 =	sor.u32 s0, s2  }
0x8: {  	s29 =	sadd.s32 $0x200, s1;
	s6 =	sadd.s32 $0x800, s1;
	s4 =	smul.u32 $0x50, s2  }
.Ltmp0:
0x9: {  	s7 =	sadd.s32 $0x1400, s1;
	s0 =	ssub.s32 $0x2, s0;
	(pc) =	sbr.rel .LBB2_1-.Ltmp0, $4  }
0xa: {  	s8 =	sadd.s32 $0x29600, s1;
	s31 =	sshrl.u32 s0, $0x1;
	s30 =	sshrl.u32 s4, $0x3  }
0xb: {  	_ =	strace $0x80000047;
	s0 =	ssub.s32 s0, s31;
	s1 =	sadd.s32 s30, s1  }
0xc: {  	[dreg:$0x3] =	wrdreg s29;
	s13 =	smax.u32 s0, $0x1;
	s9 =	sadd.s32 $0x1200, s1  }
0xd: {  	v0 =	vimm.s32 $0x0;
	v1 =	vlaneseq.u32;
	s10 =	sadd.s32 $0x1000, s1;
	s11 =	sadd.s32 $0xE00, s1;
	s12 =	sadd.s32 $0x29400, s1  }
.LBB2_9:
0xe: {  	s25 =	sadd.s32 $0x1, s25  }
0xf: {  	p0 =	sne.s32 s25, s13  }
.Ltmp1:
0x10: {  	_ = 	snop;
	(pc) =	sbr.rel @!p0 .LBB2_10-.Ltmp1, $4  }
0x11: {  	[hbm4b:s12+s3] =	stream.linear.scatter [tilespmem:s20], [sflag:$0x2], $0x50, $0x38;
	[tilespmem:$0x13A80] =	vst v63  }
0x12: {  	_ =	swait.ge [sflag:s14], $0x50  }
0x13: {  	[sflag:s14] =	ssyncset.done $0x0  }
0x14: {  	[sflag:s14] =	ssyncadd.s32 $0xFFFFFFB0  }
.LBB2_1:
0x15: {  	s0 =	rddreg [dreg:$0x0]  }
0x16: {  	[tilespmem:s3], [sflag:$0x2] =	stream.linear.gather [hbm4b:s0+s3], $0x2800, $0x38;
	[tilespmem:$0x13A80] =	vst v63  }
0x17: {  	_ =	swait.ge [sflag:s14], $0x2800  }
0x18: {  	[sflag:s14] =	ssyncset.done $0x0  }
0x19: {  	s1 =	simm.s32 $0x2800;
	s30 =	rddreg [dreg:$0x3];
	[sflag:s14] =	ssyncadd.s32 $0xFFFFD800  }
0x1a: {  	[tilespmem:s1], [sflag:$0x2] =	stream.linear.gather [hbm4b:s30+s3], $0x2800, $0x38;
	[tilespmem:$0x13A80] =	vst v63  }
0x1b: {  	_ =	swait.ge [sflag:s14], $0x2800  }
0x1c: {  	[sflag:s14] =	ssyncset.done $0x0  }
0x1d: {  	s31 =	simm.s32 $0x5000;
	[sflag:s14] =	ssyncadd.s32 $0xFFFFD800  }
0x1e: {  	[tilespmem:s31], [sflag:$0x2] =	stream.linear.gather [hbm4b:s6+s3], $0x2800, $0x38;
	[tilespmem:$0x13A80] =	vst v63  }
0x1f: {  	_ =	swait.ge [sflag:s14], $0x2800  }
0x20: {  	[sflag:s14] =	ssyncset.done $0x0  }
0x21: {  	s0 =	simm.s32 $0x0;
	[sflag:s14] =	ssyncadd.s32 $0xFFFFD800  }
0x22: {  	v2 =	vld [tilespmem:s0+$0x0]  }
0x23: {  	v3 =	vld [tilespmem:s0+$0x2800]  }
0x24: {  	v6 =	vld [tilespmem:s0+$0x5000];
	_ =	sdelay $0x3  }
0x25: {  	s26 =	simm.s32 $0x10;
	v5 =	vmul.f32 v2, v2;
	v7 =	vmul.f32 v3, v3;
	v8 =	vshrl.u32 v2, $0x10  }
0x26: {  	v4 =	vld [tilespmem:s26+$0x0];
	v9 =	vshrl.u32 v3, $0x10;
	v10 =	vmul.f32 v6, v6;
	v11 =	vshrl.u32 v6, $0x10  }
0x27: {  	v8 =	vand.u32 $0x1, v8;
	v9 =	vand.u32 $0x1, v9;
	v7 =	vadd.f32 v7, v5;
	v5 =	vld [tilespmem:s26+$0x2800]  }
0x28: {  	v2 =	vadd.s32 v8, v2;
	v8 =	vadd.s32 v9, v3;
	v9 =	vand.u32 $0x1, v11  }
0x29: {  	v3 =	vld [tilespmem:s26+$0x5000];
	v2 =	vadd.s32 $0x7FFF, v2;
	v6 =	vadd.s32 v9, v6  }
0x2a: {  	v8 =	vadd.s32 $0x7FFF, v8;
	v7 =	vadd.f32 v10, v7;
	v2 =	vand.u32 $0xFFFF0000, v2  }
0x2b: {  	v6 =	vadd.s32 $0x7FFF, v6;
	v10 =	vshrl.u32 v4, $0x10;
	v11 =	vand.u32 $0xFFFF0000, v8;
	[tilespmem:s0+$0x9A80] =	vst v2  }
0x2c: {  	s1 =	simm.s32 $0x20;
	[tilespmem:s0+$0x11280] =	vst v7;
	v7 =	vmul.f32 v4, v4;
	v8 =	vshrl.u32 v5, $0x10;
	v9 =	vmul.f32 v5, v5  }
0x2d: {  	s2 =	simm.s32 $0xC0;
	v6 =	vand.u32 $0xFFFF0000, v6;
	v10 =	vand.u32 $0x1, v10;
	v2 =	vld [tilespmem:s1+$0x0];
	[tilespmem:s0+$0xC280] =	vst v11;
	v8 =	vand.u32 $0x1, v8  }
.LBB2_2:
0x2e: {  	p0 =	sne.s32 s2, $0x9FC0;
	v11 =	vld [tilespmem:s1+$0x2800];
	v12 =	vshrl.u32 v3, $0x10;
	v7 =	vadd.f32 v9, v7;
	v9 =	vmul.f32 v3, v3;
	[tilespmem:s0+$0xEA80] =	vst v6;
	s0 =	smov.u32 s26;
	s26 =	smov.u32 s1  }
0x2f: {  	v4 =	vadd.s32 v10, v4;
	v5 =	vadd.s32 v8, v5;
	v6 =	vand.u32 $0x1, v12  }
.Ltmp2:
0x30: {  	v13 =	vadd.s32 $0x7FFF, v4;
	v6 =	vadd.s32 v6, v3;
	v3 =	vld [tilespmem:s26+$0x5000];
	v7 =	vadd.f32 v9, v7;
	(pc) =	sbr.rel @p0 .LBB2_2-.Ltmp2, $4  }
0x31: {  	v8 =	vand.u32 $0xFFFF0000, v13;
	v9 =	vadd.s32 $0x7FFF, v5;
	v14 =	vadd.s32 $0x7FFF, v6  }
0x32: {  	v12 =	vand.u32 $0xFFFF0000, v9;
	v10 =	vshrl.u32 v2, $0x10;
	v6 =	vand.u32 $0xFFFF0000, v14;
	[tilespmem:s0+$0x11280] =	vst v7;
	v4 =	vmovc v2  }
0x33: {  	s1 =	sshra.s32 s2, $0x2;
	v13 =	vshrl.u32 v11, $0x10;
	v7 =	vmul.f32 v2, v4;
	v9 =	vmul.f32 v11, v11;
	[tilespmem:s0+$0x9A80] =	vst v8;
	v5 =	vmovc v11  }
0x34: {  	s2 =	sadd.s32 $0x40, s2;
	v10 =	vand.u32 $0x1, v10;
	v2 =	vld [tilespmem:s1+$0x0];
	v8 =	vand.u32 $0x1, v13;
	[tilespmem:s0+$0xC280] =	vst v12  }
0x35: {  	v11 =	vld [tilespmem:s1+$0x2800];
	v12 =	vshrl.u32 v3, $0x10;
	[tilespmem:s0+$0xEA80] =	vst v6;
	v51 =	vadd.f32 v9, v7  }
0x36: {  	v52 =	vmul.f32 v3, v3;
	v4 =	vadd.s32 v10, v4;
	v5 =	vadd.s32 v8, v5;
	v53 =	vld [tilespmem:s1+$0x5000]  }
0x37: {  	v54 =	vand.u32 $0x1, v12;
	v4 =	vadd.s32 $0x7FFF, v4;
	v5 =	vadd.s32 $0x7FFF, v5  }
0x38: {  	v3 =	vadd.s32 v54, v3;
	v6 =	vadd.f32 v52, v51;
	v4 =	vand.u32 $0xFFFF0000, v4  }
0x39: {  	v5 =	vand.u32 $0xFFFF0000, v5;
	v3 =	vadd.s32 $0x7FFF, v3;
	v55 =	vmul.f32 v2, v2  }
0x3a: {  	v57 =	vshrl.u32 v2, $0x10;
	v3 =	vand.u32 $0xFFFF0000, v3;
	v56 =	vmul.f32 v11, v11  }
0x3b: {  	[tilespmem:s26+$0x9A80] =	vst v4;
	v58 =	vshrl.u32 v11, $0x10;
	v60 =	vand.u32 $0x1, v57;
	v59 =	vmul.f32 v53, v53  }
0x3c: {  	[tilespmem:s26+$0x11280] =	vst v6;
	v6 =	vand.u32 $0x1, v58;
	v61 =	vshrl.u32 v53, $0x10;
	v2 =	vadd.s32 v60, v2  }
0x3d: {  	[tilespmem:s26+$0xEA80] =	vst v3;
	v7 =	vadd.f32 v56, v55;
	v3 =	vadd.s32 v6, v11;
	v2 =	vadd.s32 $0x7FFF, v2  }
0x3e: {  	[tilespmem:s26+$0xC280] =	vst v5;
	v5 =	vand.u32 $0x1, v61;
	v2 =	vand.u32 $0xFFFF0000, v2;
	v3 =	vadd.s32 $0x7FFF, v3  }
0x3f: {  	v5 =	vadd.s32 v5, v53;
	v62 =	vadd.f32 v59, v7;
	v3 =	vand.u32 $0xFFFF0000, v3;
	[tilespmem:s1+$0x9A80] =	vst v2  }
0x40: {  	v63 =	vadd.s32 $0x7FFF, v5;
	[tilespmem:s1+$0xC280] =	vst v3  }
0x41: {  	v2 =	vand.u32 $0xFFFF0000, v63;
	[tilespmem:s1+$0x11280] =	vst v62  }
0x42: {  	s26 =	simm.s32 $0x0;
	[tilespmem:s1+$0xEA80] =	vst v2  }
0x43: {  	[tilespmem:s17], [sflag:$0x2] =	stream.linear.gather [hbm4b:s9+s26], $0x50, $0x38;
	[tilespmem:$0x13A80] =	vst v63  }
0x44: {  	_ =	swait.ge [sflag:s14], $0x50  }
0x45: {  	[sflag:s14] =	ssyncset.done $0x0  }
0x46: {  	[sflag:s14] =	ssyncadd.s32 $0xFFFFFFB0  }
0x47: {  	[tilespmem:s18], [sflag:$0x2] =	stream.linear.gather [hbm4b:s10+s26], $0x50, $0x38;
	[tilespmem:$0x13A80] =	vst v63  }
0x48: {  	_ =	swait.ge [sflag:s14], $0x50  }
0x49: {  	[sflag:s14] =	ssyncset.done $0x0  }
0x4a: {  	[sflag:s14] =	ssyncadd.s32 $0xFFFFFFB0  }
0x4b: {  	[tilespmem:s19], [sflag:$0x2] =	stream.linear.gather [hbm4b:s11+s26], $0x50, $0x38;
	[tilespmem:$0x13A80] =	vst v63  }
0x4c: {  	_ =	swait.ge [sflag:s14], $0x50  }
0x4d: {  	[sflag:s14] =	ssyncset.done $0x0  }
0x4e: {  	[sflag:s14] =	ssyncadd.s32 $0xFFFFFFB0  }
0x4f: {  	[tilespmem:$0x7A00] =	vst v0  }
0x50: {  	[tilespmem:$0x7A10] =	vst v0  }
0x51: {  	[tilespmem:$0x7A20] =	vst v0  }
.Ltmp3:
0x52: {  	[tilespmem:$0x7A30] =	vst v0;
	(pc) =	sbr.rel .LBB2_4-.Ltmp3, $4  }
0x53: {  	[tilespmem:$0x7A40] =	vst v0  }
0x54: {  	[tilespmem:$0x7A50] =	vst v0  }
0x55: {  	[tilespmem:$0x7A60] =	vst v0  }
0x56: {  	[tilespmem:$0x7A70] =	vst v0  }
.LBB2_7:
0x57: {  	_ = 	snop  }
0x58: {  	p0 =	slt.s32 s15, $0x40  }
0x59: {  	s15 =	simm.s32 @!p0 $0x40  }
0x5a: {  	v3 =	vmov s15  }
0x5b: {  	[tilespmem:v2+s20+$0x0] =	vst.idx.msk $0x1, v3  }
0x5c: {  	[tilespmem:s23], [sflag:$0x1] =	stream.indirect.gather [hbm4b:s7+s21], $0x80, s22, s21, $0xb8;
	[tilespmem:$0x13A80] =	vst v63  }
0x5d: {  	_ =	swait.ge [sflag:s24], $0x2000  }
0x5e: {  	s0 =	sshll.u32 s28, $0xA;
	[sflag:s24] =	ssyncset.done $0x0  }
0x5f: {  	s0 =	sadd.s32 s8, s0;
	[sflag:s24] =	ssyncadd.s32 $0xFFFFE000  }
0x60: {  	[hbm4b:s0+s3] =	stream.linear.scatter [tilespmem:s23], [sflag:$0x2], $0x2000, $0x38;
	[tilespmem:$0x13A80] =	vst v63  }
0x61: {  	_ =	swait.ge [sflag:s14], $0x2000  }
0x62: {  	[sflag:s14] =	ssyncset.done $0x0  }
0x63: {  	[sflag:s14] =	ssyncadd.s32 $0xFFFFE000  }
.LBB2_8:
0x64: {  	s26 =	sadd.s32 $0x1, s26  }
0x65: {  	p0 =	sne.s32 s26, $0x50  }
.Ltmp4:
0x66: {  	_ = 	snop;
	(pc) =	sbr.rel @!p0 .LBB2_9-.Ltmp4, $1  }
0x67: {  	_ =	sdelay $0x3  }
.LBB2_4:
0x68: {  	s28 =	sadd.s32 s4, s26  }
0x69: {  	p0 =	sgt.u32 s28, $0x9C3  }
.Ltmp5:
0x6a: {  	_ = 	snop;
	(pc) =	sbr.rel @p0 .LBB2_8-.Ltmp5, $1  }
0x6b: {  	_ =	sdelay $0x3  }
0x6c: {  	v2 =	vmov s26;
	_ =	sdelay $0x4  }
0x6d: {  	v3 =	vld.idx.msk [tilespmem:v2+s17+$0x0], $0xffff  }
0x6e: {  	v4 =	vld.idx.msk [tilespmem:v2+s18+$0x0], $0xffff  }
0x6f: {  	v5 =	vld.idx.msk [tilespmem:v2+s19+$0x0], $0xffff;
	_ =	sdelay $0x3  }
0x70: {  	v6 =	vshrl.u32 v3, $0x10;
	v7 =	vshrl.u32 v4, $0x10  }
0x71: {  	v8 =	vshrl.u32 v5, $0x10;
	v9 =	vmul.f32 v4, v4;
	v6 =	vand.u32 $0x1, v6  }
0x72: {  	[tilespmem:$0x7980] =	vst v0;
	v7 =	vand.u32 $0x1, v7;
	v6 =	vadd.s32 v6, v3;
	v3 =	vmul.f32 v3, v3  }
0x73: {  	[tilespmem:$0x7990] =	vst v0;
	v63 =	vmul.f32 v5, v5;
	v4 =	vadd.s32 v7, v4;
	v7 =	vand.u32 $0x1, v8  }
0x74: {  	s15 =	simm.s32 $0x0;
	[tilespmem:$0x79A0] =	vst v0;
	v6 =	vadd.s32 $0x7FFF, v6;
	v7 =	vadd.s32 v7, v5;
	v8 =	vadd.f32 v9, v3  }
0x75: {  	s29 =	simm.s32 $0x112A0;
	s30 =	simm.s32 $0x9AA0;
	s31 =	simm.s32 $0xC2A0;
	[tilespmem:$0x79B0] =	vst v0;
	v4 =	vadd.s32 $0x7FFF, v4;
	v3 =	vand.u32 $0xFFFF0000, v6;
	v5 =	vadd.s32 $0x7FFF, v7  }
0x76: {  	s1 =	simm.s32 $0xEAA0;
	s0 =	simm.s32 $0x0;
	s2 =	simm.s32 $0x0;
	[tilespmem:$0x79C0] =	vst v0;
	v4 =	vand.u32 $0xFFFF0000, v4;
	v5 =	vand.u32 $0xFFFF0000, v5;
	v6 =	vadd.f32 v63, v8  }
.LBB2_6:
0x77: {  	v7 =	vld [tilespmem:s30+$0xFFFFFFE0]  }
0x78: {  	v8 =	vld [tilespmem:s31+$0xFFFFFFE0];
	_ =	sdelay $0x1  }
0x79: {  	v9 =	vld [tilespmem:s1+$0xFFFFFFE0];
	_ =	sdelay $0x2  }
0x7a: {  	v7 =	vmul.f32 v3, v7;
	v8 =	vmul.f32 v4, v8  }
0x7b: {  	v10 =	vld [tilespmem:s29+$0xFFFFFFE0]  }
0x7c: {  	v7 =	vadd.f32 v8, v7;
	v8 =	vmul.f32 v5, v9;
	_ =	sdelay $0x1  }
0x7d: {  	v7 =	vadd.f32 v8, v7;
	_ =	sdelay $0x1  }
0x7e: {  	v8 =	vadd.f32 v10, v6;
	v7 =	vadd.f32 v7, v7;
	_ =	sdelay $0x1  }
0x7f: {  	v7 =	vsub.f32 v8, v7;
	_ =	sdelay $0x1  }
0x80: {  	vm0 =	vle.f32 v7, $3.999999910e-02;
	v7 =	vor.u32 s0, v1  }
0x81: {  	[tilespmem:s15+$0x7980] =	vst.msk vm0, v7;
	v7 =	vsel vm0, $0x1, v0  }
0x82: {  	(xrf0) =	vadd.scan.msk.s32 $0xffff, v7;
	v7 =	vld [tilespmem:s30+$0xFFFFFFF0]  }
0x83: {  	v8 =	vld [tilespmem:s31+$0xFFFFFFF0];
	_ =	sdelay $0x1  }
0x84: {  	v57 =	vld [tilespmem:s1+$0xFFFFFFF0];
	_ =	sdelay $0x2  }
0x85: {  	v7 =	vmul.f32 v3, v7;
	v8 =	vmul.f32 v4, v8;
	v58, _, _ =	vpop (xrf0)  }
0x86: {  	v59 =	vld [tilespmem:s29+$0xFFFFFFF0];
	(v2sf) =	vpush v58, $0xF  }
0x87: {  	v7 =	vadd.f32 v8, v7;
	v8 =	vmul.f32 v5, v57;
	_ =	sdelay $0x1  }
0x88: {  	v7 =	vadd.f32 v8, v7;
	_ =	sdelay $0x1  }
0x89: {  	v8 =	vadd.f32 v59, v6;
	v7 =	vadd.f32 v7, v7;
	_ =	sdelay $0x1  }
0x8a: {  	v7 =	vsub.f32 v8, v7;
	_ =	sdelay $0x1  }
0x8b: {  	vm13 =	vle.f32 v7, $3.999999910e-02  }
0x8c: {  	v7 =	vsel vm13, $0x1, v0  }
0x8d: {  	(xrf0) =	vadd.scan.msk.s32 $0xffff, v7;
	_ =	sdelay $0x1  }
0x8e: {  	s5 =	sadd.s32 $0x10, s0  }
0x8f: {  	v7 =	vor.u32 s5, v1  }
0x90: {  	s16 =	spop (v2sf)  }
0x91: {  	s15 =	sadd.s32 s15, s16  }
0x92: {  	[tilespmem:s15+$0x7980] =	vst.msk vm13, v7;
	v7, _, _ =	vpop (xrf0)  }
0x93: {  	(v2sf) =	vpush v7, $0xF;
	v7 =	vld [tilespmem:s30+$0x0]  }
0x94: {  	v8 =	vld [tilespmem:s31+$0x0];
	_ =	sdelay $0x1  }
0x95: {  	v60 =	vld [tilespmem:s1+$0x0];
	_ =	sdelay $0x2  }
0x96: {  	v7 =	vmul.f32 v3, v7;
	v8 =	vmul.f32 v4, v8  }
0x97: {  	v61 =	vld [tilespmem:s29+$0x0]  }
0x98: {  	v7 =	vadd.f32 v8, v7;
	v8 =	vmul.f32 v5, v60;
	_ =	sdelay $0x1  }
0x99: {  	v7 =	vadd.f32 v8, v7;
	_ =	sdelay $0x1  }
0x9a: {  	v8 =	vadd.f32 v61, v6;
	v7 =	vadd.f32 v7, v7;
	_ =	sdelay $0x1  }
0x9b: {  	v7 =	vsub.f32 v8, v7  }
0x9c: {  	s16 =	sadd.s32 $0x20, s0;
	s5 =	spop (v2sf)  }
0x9d: {  	vm14 =	vle.f32 v7, $3.999999910e-02;
	v7 =	vor.u32 s16, v1;
	s5 =	sadd.s32 s15, s5  }
0x9e: {  	[tilespmem:s5+$0x7980] =	vst.msk vm14, v7  }
0x9f: {  	v7 =	vld [tilespmem:s30+$0x10]  }
0xa0: {  	v8 =	vld [tilespmem:s31+$0x10];
	_ =	sdelay $0x1  }
0xa1: {  	v62 =	vld [tilespmem:s1+$0x10];
	_ =	sdelay $0x2  }
0xa2: {  	v7 =	vmul.f32 v3, v7;
	v8 =	vmul.f32 v4, v8  }
0xa3: {  	v63 =	vld [tilespmem:s29+$0x10]  }
0xa4: {  	v7 =	vadd.f32 v8, v7;
	v8 =	vmul.f32 v5, v62;
	_ =	sdelay $0x1  }
0xa5: {  	v7 =	vadd.f32 v8, v7;
	_ =	sdelay $0x1  }
0xa6: {  	v8 =	vadd.f32 v63, v6;
	v7 =	vadd.f32 v7, v7;
	_ =	sdelay $0x1  }
0xa7: {  	v7 =	vsub.f32 v8, v7;
	_ =	sdelay $0x1  }
0xa8: {  	v8 =	vsel vm14, $0x1, v0;
	vm15 =	vle.f32 v7, $3.999999910e-02  }
0xa9: {  	(xrf0) =	vadd.scan.msk.s32 $0xffff, v8;
	v7 =	vsel vm15, $0x1, v0  }
0xaa: {  	(xrf0) =	vadd.scan.msk.s32 $0xffff, v7;
	_ =	sdelay $0x4  }
0xab: {  	v7, _, _ =	vpop (xrf0)  }
0xac: {  	(v2sf) =	vpush v7, $0xF;
	v7, _, _ =	vpop (xrf0)  }
0xad: {  	(v2sf) =	vpush v7, $0xF;
	_ =	sdelay $0xd  }
0xae: {  	s16 =	spop (v2sf)  }
0xaf: {  	s5 =	sadd.s32 s5, s16;
	s16 =	spop (v2sf)  }
0xb0: {  	p0 =	sgt.u32 s2, $0x27B;
	s15 =	sadd.s32 s5, s16  }
0xb1: {  	p1 =	slt.s32 @!p0 s15, $0x40  }
0xb2: {  	p0 =	por p0, !p1  }
.Ltmp6:
0xb3: {  	_ = 	snop;
	(pc) =	sbr.rel @!p0 .LBB2_6-.Ltmp6, $4  }
0xb4: {  	_ = 	snop  }
0xb5: {  	s16 =	sadd.s32 $0x30, s0  }
0xb6: {  	s2 =	sadd.s32 $0x4, s2;
	s29 =	sadd.s32 $0x40, s29;
	s30 =	sadd.s32 $0x40, s30;
	v7 =	vor.u32 s16, v1  }
0xb7: {  	s31 =	sadd.s32 $0x40, s31;
	s1 =	sadd.s32 $0x40, s1;
	s0 =	sadd.s32 $0x40, s0;
	[tilespmem:s5+$0x7980] =	vst.msk vm15, v7  }
.Ltmp7:
0xb8: {  	_ = 	snop;
	(pc) =	sbr.rel .LBB2_7-.Ltmp7, $1  }
0xb9: {  	_ =	sdelay $0x3  }
.LBB2_10:
0xba: {  	_ =	sfence.sel $0x180000  }
0xbb: {  	[bflag:$0x0] =	sbarrier.arrive $0xFFFF  }
0xbc: {  	_ =	strace $0x90000047  }
0xbd: {  	s0 =	stileid.u32;
	[bflag:$0x2] =	sbarrier.arrive $0xFFFF  }
0xbe: {  	p0 =	sne.s32 s0, $0x0;
	s0 =	rddreg [dreg:$0x2]  }
0xbf: {  	s0 =	sadd.s32 @!p0 $0x100000, s0  }
0xc0: {  	[sflag:s0] =	ssyncadd.tile.s32 @!p0 $0x1;
	_ =	shalt  }
.Lfunc_end2:
_tile_overlayer_lowered:
.L_overlay_start_2:
0xc1: {  	(tag) =	ssettag $0x2  }
0xc2: {  	s0 =	rddreg [dreg:$0x0];
	s2 =	stileid.u32  }
0xc3: {  	s1 =	rddreg [dreg:$0x1];
	p0 =	sne.s32 s2, $0x0  }
0xc4: {  	s3 =	rddreg [dreg:$0x2];
	[bflag:$0x3] =	sbarrier.arrive $0xFFFF;
	s2 =	simm.s32 @!p0 $0x1C02  }
0xc5: {  	[timem:s3], [sflag:s2] =	dma.local @!p0 [hbm:s0], s1  }
0xc6: {  	s0 =	simm.s32 @!p0 $0x2  }
0xc7: {  	_ =	swait.ge @!p0 [sflag:s0], s1  }
0xc8: {  	s1 =	ssub.s32 @!p0 $0x0, s1;
	[sflag:s0] =	ssyncset.done @!p0 $0x0  }
0xc9: {  	[sflag:s0] =	ssyncadd.s32 @!p0 s1  }
0xca: {  	[bflag:$0x3] =	sbarrier.arrive $0xFFFF  }
0xcb: {  	_ =	shalt  }

</sc_bundles>
